<compile_context>
chip_gen: v7x
topology: tpu7x:2x2x1
jax: 0.10.2.dev20260603
libtpu: 0.0.44.dev20260713+nightly
codegen_flags: <defaults>
</compile_context>

<pallas_src>
import functools
import math

import jax
import jax.numpy as jnp
from jax import lax
from jax.experimental import pallas as pl
from jax.experimental.pallas import tpu as pltpu
from jax.experimental.pallas import tpu_sc as plsc

_B, _T, _D, _H, _N = 8, 64, 1024, 768, 16384
_K = 4096
_NC = 2048
_NCH = _N // _NC
_R = _B * _T


_NW = 32
_PER = (_B * _K) // _NW


def _sc_gather_body(cx_hbm, cy_hbm, cz_hbm, idx_hbm, out_hbm, cx_v, cy_v,
                    cz_v, idx_v, out_v):
    wid = lax.axis_index("s") * 2 + lax.axis_index("c")
    base = wid * _PER
    pltpu.sync_copy(cx_hbm, cx_v)
    pltpu.sync_copy(cy_hbm, cy_v)
    pltpu.sync_copy(cz_hbm, cz_v)
    pltpu.sync_copy(idx_hbm.at[pl.ds(base, _PER)], idx_v)
    lane = lax.iota(jnp.int32, 16) * 3
    for i in range(_PER // 16):
        iv = idx_v[pl.ds(i * 16, 16)]
        pos = lane + (i * 48)
        plsc.store_scatter(out_v, [pos], plsc.load_gather(cx_v, [iv]))
        plsc.store_scatter(out_v, [pos + 1], plsc.load_gather(cy_v, [iv]))
        plsc.store_scatter(out_v, [pos + 2], plsc.load_gather(cz_v, [iv]))
    pltpu.sync_copy(out_v, out_hbm.at[pl.ds(base * 3, _PER * 3)])


@jax.jit
def _sc_gather(cxh, cyh, czh, idx_flat):
    kern = functools.partial(
        pl.kernel,
        mesh=plsc.VectorSubcoreMesh(core_axis_name="c",
                                    subcore_axis_name="s"),
        out_type=jax.ShapeDtypeStruct((_B * _K * 3,), jnp.float32),
        scratch_types=[
            pltpu.VMEM((_N,), jnp.float32),
            pltpu.VMEM((_N,), jnp.float32),
            pltpu.VMEM((_N,), jnp.float32),
            pltpu.VMEM((_PER,), jnp.int32),
            pltpu.VMEM((_PER * 3,), jnp.float32),
        ],
        compiler_params=pltpu.CompilerParams(needs_layout_passes=False),
    )(_sc_gather_body)
    return kern(cxh, cyh, czh, idx_flat)


def _normalize_body(cx_ref, cy_ref, cz_ref, oxn_ref, oyn_ref, ozn_ref):
    cx, cy, cz = cx_ref[...], cy_ref[...], cz_ref[...]
    norm = jnp.maximum(jnp.sqrt(cx * cx + cy * cy + cz * cz), 1e-12)
    oxn_ref[...] = cx / norm
    oyn_ref[...] = cy / norm
    ozn_ref[...] = cz / norm


def _decode_body(lt_ref, ls_ref, thr_ref, need_ref, ct_ref, w3t_ref,
                 b3_ref, w4_ref, b4_ref, out_ref, m_ref, d_ref, y_ref,
                 base_ref):
    c = pl.program_id(0)

    @pl.when(c == 0)
    def _init():
        m_ref[...] = jnp.full_like(m_ref, -1e30)
        d_ref[...] = jnp.zeros_like(d_ref)
        y_ref[...] = jnp.zeros_like(y_ref)
        base_ref[...] = jnp.zeros_like(base_ref)

    ls = ls_ref[...]
    thr = thr_ref[...]
    gt = ls > thr
    eq = (ls == thr).astype(jnp.float32)
    lr = eq
    s = 1
    while s < _NC:
        lr = lr + jnp.concatenate(
            [jnp.zeros((_B, s), jnp.float32), lr[:, :-s]], axis=1)
        s *= 2
    rank = base_ref[...] + lr
    sel = jnp.where(gt | ((eq > 0.5) & (rank <= need_ref[...])), 1.0, 0.0)
    base_ref[...] += jnp.sum(eq, axis=1, keepdims=True)

    sel512 = jnp.broadcast_to(sel[:, None, :],
                              (_B, _T, _NC)).reshape(_R, _NC)
    l = jnp.where(sel512 > 0.5, lt_ref[...], -1e30)
    mc = jnp.max(l, axis=1, keepdims=True)
    m_old = m_ref[...]
    mnew = jnp.maximum(m_old, mc)
    scale = jnp.exp(m_old - mnew)
    p = jnp.exp(l - mnew) * sel512
    d_ref[...] = d_ref[...] * scale + jnp.sum(p, axis=1, keepdims=True)

    cx = ct_ref[0:1, :]
    cy = ct_ref[1:2, :]
    cz = ct_ref[2:3, :]
    nrm = jnp.maximum(jnp.sqrt(cx * cx + cy * cy + cz * cz), 1e-12)
    at = (w3t_ref[:, 0:1] * (cx / nrm) + w3t_ref[:, 1:2] * (cy / nrm)
          + w3t_ref[:, 2:3] * (cz / nrm) + b3_ref[...])
    at = jnp.maximum(at, 0.0)
    y_ref[...] = y_ref[...] * scale + jax.lax.dot_general(
        p.astype(jnp.bfloat16), at.astype(jnp.bfloat16),
        dimension_numbers=(((1,), (1,)), ((), ())),
        preferred_element_type=jnp.float32)
    m_ref[...] = mnew

    @pl.when(c == _NCH - 1)
    def _fin():
        yn = (y_ref[...] / d_ref[...]) * math.sqrt(_K)
        out_ref[...] = (jnp.dot(yn.astype(jnp.bfloat16), w4_ref[...],
                                preferred_element_type=jnp.float32)
                        + math.sqrt(_K) * b4_ref[...])


@functools.partial(jax.jit, static_argnames=("interpret",))
def _decode(lt2d, ls, thr, need, compT, W3T, b3c, W4b, b4,
            interpret=False):
    return pl.pallas_call(
        _decode_body,
        grid=(_NCH,),
        in_specs=[
            pl.BlockSpec((_R, _NC), lambda c: (0, c)),
            pl.BlockSpec((_B, _NC), lambda c: (0, c)),
            pl.BlockSpec((_B, 1), lambda c: (0, 0)),
            pl.BlockSpec((_B, 1), lambda c: (0, 0)),
            pl.BlockSpec((3, _NC), lambda c: (0, c)),
            pl.BlockSpec((_H, 3), lambda c: (0, 0)),
            pl.BlockSpec((_H, 1), lambda c: (0, 0)),
            pl.BlockSpec((_H, _D), lambda c: (0, 0)),
            pl.BlockSpec((1, _D), lambda c: (0, 0)),
        ],
        out_specs=pl.BlockSpec((_R, _D), lambda c: (0, 0)),
        out_shape=jax.ShapeDtypeStruct((_R, _D), jnp.float32),
        scratch_shapes=[
            pltpu.VMEM((_R, 1), jnp.float32),
            pltpu.VMEM((_R, 1), jnp.float32),
            pltpu.VMEM((_R, _H), jnp.float32),
            pltpu.VMEM((_B, 1), jnp.float32),
        ],
        interpret=interpret,
    )(lt2d, ls, thr, need, compT, W3T, b3c, W4b, b4)


@functools.partial(jax.jit, static_argnames=("interpret",))
def _normalize(cx, cy, cz, interpret=False):
    return pl.pallas_call(
        _normalize_body,
        out_shape=[jax.ShapeDtypeStruct((_B, _K), jnp.float32)] * 3,
        interpret=interpret,
    )(cx, cy, cz)


def kernel(x, W1, b1, W2, b2, components, W3, b3, W4, b4):
    Bx, Tx, Dx = x.shape
    k = min(64 * Tx, components.shape[0])
    x = x.astype(jnp.float32)
    h = jax.nn.relu(x @ W1 + b1)
    logits_tok = h @ W2 + b2
    logits_sum = logits_tok.sum(axis=1) / math.sqrt(Tx)
    vals, idx = jax.lax.top_k(logits_sum, k)

    thr = vals[:, k - 1:k]
    n_gt = (logits_sum > thr).sum(axis=1, keepdims=True)
    need = (k - n_gt).astype(jnp.float32)

    compT = components.T
    comps_g = _sc_gather(compT[0], compT[1], compT[2],
                         idx.reshape(-1)).reshape(Bx, k, 3)
    cxn, cyn, czn = _normalize(comps_g[..., 0], comps_g[..., 1],
                               comps_g[..., 2])
    comps_k = jnp.stack([cxn, cyn, czn], axis=-1)

    xr = _decode(logits_tok.reshape(_R, _N), logits_sum, thr, need,
                 compT, W3.T, b3.reshape(_H, 1),
                 W4.astype(jnp.bfloat16), b4.reshape(1, _D))
    return xr.reshape(Bx, Tx, Dx), comps_k

# --- scband reference (transcript-rebuilt; emitter-appended) ---
"""Pipeline reference for scband-autoencoder-18468359372824 (READ-ONLY COPY).

The authoritative reference and input builder live on the scoring server;
editing this copy changes nothing except your own understanding.
"""

import jax, jax.numpy as jnp
import numpy as np
import math

B, T, D = 8, 64, 1024
H, N = 768, 16384
TOP_K = 64

def _lin_init(kw, kb, fan_in, fan_out):
    s = 1.0 / np.sqrt(fan_in)
    W = jax.random.uniform(kw, (fan_in, fan_out), minval=-s, maxval=s, dtype=jnp.float32)
    b = jax.random.uniform(kb, (fan_out,), minval=-s, maxval=s, dtype=jnp.float32)
    return W, b

def setup_inputs(seed: int = 0) -> dict:
    key = jax.random.key(seed)
    ks = jax.random.split(key, 10)
    x = jax.random.normal(ks[0], (B, T, D), dtype=jnp.float32)
    W1, b1 = _lin_init(ks[1], ks[2], D, H)
    W2, b2 = _lin_init(ks[3], ks[4], H, N)
    components = jax.random.normal(ks[5], (N, 3), dtype=jnp.float32)
    W3, b3 = _lin_init(ks[6], ks[7], 3, H)
    W4, b4 = _lin_init(ks[8], ks[9], H, D)
    return {"x": x, "W1": W1, "b1": b1, "W2": W2, "b2": b2,
            "components": components, "W3": W3, "b3": b3, "W4": W4, "b4": b4}

def reference(x, W1, b1, W2, b2, components, W3, b3, W4, b4):
    Bx, Tx, Dx = x.shape
    Nc = components.shape[0]
    k = min(TOP_K * Tx, Nc)  # 4096
    x = x.astype(jnp.float32)
    h = jax.nn.relu(x @ W1 + b1)
    logits_tok = h @ W2 + b2                      # [B, T, N]
    logits_sum = logits_tok.sum(axis=1) / math.sqrt(Tx)  # [B, N]
    _, idx = jax.lax.top_k(logits_sum, k)         # [B, k]
    comps_k = components[idx]                     # [B, k, 3]
    # noise_factor = 0.0 at eval -> noise term is zero; F.normalize(dim=-1)
    norm = jnp.maximum(jnp.linalg.norm(comps_k, axis=-1, keepdims=True), 1e-12)
    comps_k = comps_k / norm
    dec_k = jax.nn.relu(comps_k @ W3 + b3) @ W4 + b4   # [B, k, D]
    idx_exp = jnp.broadcast_to(idx[:, None, :], (Bx, Tx, k))
    weights_t = jnp.take_along_axis(logits_tok, idx_exp, axis=2)  # [B, T, k]
    weights_t = jax.nn.softmax(weights_t, axis=-1) * math.sqrt(k)
    x_recon = jnp.einsum('btk,bkd->btd', weights_t, dec_k)
    return (x_recon, comps_k)

if __name__ == "__main__":
    import jax
    _d = setup_inputs()
    print(jax.jit(kernel)(*tuple(_d.values())))

</pallas_src>

<mosaic_0001>
#map = affine_map<(d0, d1) -> (0)>
module attributes {stable_mosaic.version = 14 : i64} {
  func.func @_sc_gather_body(%arg0: i32, %arg1: i32, %arg2: memref<16384xf32, #tpu.memory_space<hbm>>, %arg3: memref<16384xf32, #tpu.memory_space<hbm>>, %arg4: memref<16384xf32, #tpu.memory_space<hbm>>, %arg5: memref<32768xi32, #tpu.memory_space<hbm>>, %arg6: memref<98304xf32, #tpu.memory_space<hbm>>, %arg7: memref<16384xf32, #tpu.memory_space<vmem>>, %arg8: memref<16384xf32, #tpu.memory_space<vmem>>, %arg9: memref<16384xf32, #tpu.memory_space<vmem>>, %arg10: memref<1024xi32, #tpu.memory_space<vmem>>, %arg11: memref<3072xf32, #tpu.memory_space<vmem>>) attributes {dimension_semantics = [#tpu.dimension_semantics<core_parallel>, #tpu.dimension_semantics<subcore_parallel>], iteration_bounds = array<i64: 2, 16>, scalar_prefetch = 0 : i64, scratch_operands = 5 : i64, tpu.core_type = #tpu.core_type<sc_vector_subcore>, window_params = [{transform_indices = #map}, {transform_indices = #map}, {transform_indices = #map}, {transform_indices = #map}, {transform_indices = #map}]} {
    %mul3A = arith.constant 2 : i32
    %mul3A_0 = arith.muli %arg1, %mul3A : i32
    %add3A = arith.addi %mul3A_0, %arg0 : i32
    %mul3A_1 = arith.constant 1024 : i32
    %mul3A_2 = arith.muli %add3A, %mul3A_1 : i32
    "tpu.region"() ({
      %run_scoped3A = tpu.sem_alloc : memref<!tpu.dma_semaphore, #tpu.memory_space<semaphore_mem>>
      tpu.enqueue_dma source(%arg2 : memref<16384xf32, #tpu.memory_space<hbm>>) target(%arg7 : memref<16384xf32, #tpu.memory_space<vmem>>) target_semaphore(%run_scoped3A : memref<!tpu.dma_semaphore, #tpu.memory_space<semaphore_mem>>)
      tpu.wait_dma2 semaphore(%run_scoped3A : memref<!tpu.dma_semaphore, #tpu.memory_space<semaphore_mem>>) src(%arg2 : memref<16384xf32, #tpu.memory_space<hbm>>) dst(%arg7 : memref<16384xf32, #tpu.memory_space<vmem>>)
      tpu.yield
    }) : () -> ()
    "tpu.region"() ({
      %run_scoped3A = tpu.sem_alloc : memref<!tpu.dma_semaphore, #tpu.memory_space<semaphore_mem>>
      tpu.enqueue_dma source(%arg3 : memref<16384xf32, #tpu.memory_space<hbm>>) target(%arg8 : memref<16384xf32, #tpu.memory_space<vmem>>) target_semaphore(%run_scoped3A : memref<!tpu.dma_semaphore, #tpu.memory_space<semaphore_mem>>)
      tpu.wait_dma2 semaphore(%run_scoped3A : memref<!tpu.dma_semaphore, #tpu.memory_space<semaphore_mem>>) src(%arg3 : memref<16384xf32, #tpu.memory_space<hbm>>) dst(%arg8 : memref<16384xf32, #tpu.memory_space<vmem>>)
      tpu.yield
    }) : () -> ()
    "tpu.region"() ({
      %run_scoped3A = tpu.sem_alloc : memref<!tpu.dma_semaphore, #tpu.memory_space<semaphore_mem>>
      tpu.enqueue_dma source(%arg4 : memref<16384xf32, #tpu.memory_space<hbm>>) target(%arg9 : memref<16384xf32, #tpu.memory_space<vmem>>) target_semaphore(%run_scoped3A : memref<!tpu.dma_semaphore, #tpu.memory_space<semaphore_mem>>)
      tpu.wait_dma2 semaphore(%run_scoped3A : memref<!tpu.dma_semaphore, #tpu.memory_space<semaphore_mem>>) src(%arg4 : memref<16384xf32, #tpu.memory_space<hbm>>) dst(%arg9 : memref<16384xf32, #tpu.memory_space<vmem>>)
      tpu.yield
    }) : () -> ()
    "tpu.region"() ({
      %run_scoped3A = tpu.sem_alloc : memref<!tpu.dma_semaphore, #tpu.memory_space<semaphore_mem>>
      %dma_start3A = tpu.memref_slice %arg5[%mul3A_2] : memref<32768xi32, #tpu.memory_space<hbm>> -> memref<1024xi32, #tpu.memory_space<hbm>>
      %dma_start3A_902 = tpu.memref_slice %arg5[%mul3A_2] : memref<32768xi32, #tpu.memory_space<hbm>> -> memref<1024xi32, #tpu.memory_space<hbm>>
      tpu.enqueue_dma source(%dma_start3A_902 : memref<1024xi32, #tpu.memory_space<hbm>>) target(%arg10 : memref<1024xi32, #tpu.memory_space<vmem>>) target_semaphore(%run_scoped3A : memref<!tpu.dma_semaphore, #tpu.memory_space<semaphore_mem>>)
      %dma_wait3A = tpu.memref_slice %arg5[%mul3A_2] : memref<32768xi32, #tpu.memory_space<hbm>> -> memref<1024xi32, #tpu.memory_space<hbm>>
      %dma_wait3A_903 = tpu.memref_slice %arg5[%mul3A_2] : memref<32768xi32, #tpu.memory_space<hbm>> -> memref<1024xi32, #tpu.memory_space<hbm>>
      tpu.wait_dma2 semaphore(%run_scoped3A : memref<!tpu.dma_semaphore, #tpu.memory_space<semaphore_mem>>) src(%dma_wait3A_903 : memref<1024xi32, #tpu.memory_space<hbm>>) dst(%arg10 : memref<1024xi32, #tpu.memory_space<vmem>>)
      tpu.yield
    }) : () -> ()
    %iota3A = tpu.iota {dimensions = array<i32: 0>} : vector<16xi32>
    %mul3A_3 = arith.constant 3 : i32
    %mul3A_4 = vector.broadcast %mul3A_3 : i32 to vector<16xi32>
    %mul3A_5 = arith.muli %iota3A, %mul3A_4 : vector<16xi32>
    %get3A = arith.constant 0 : index
    %get3A_6 = tpu.vector_load %arg10[%get3A] {strides = array<i32>} : memref<1024xi32, #tpu.memory_space<vmem>>, vector<16xi32>,
    %add3A_7 = arith.constant 0 : i32
    %add3A_8 = vector.broadcast %add3A_7 : i32 to vector<16xi32>
    %add3A_9 = arith.addi %mul3A_5, %add3A_8 : vector<16xi32>
    %gather3A = tpu.vector_load_idx %arg7[%get3A_6] : memref<16384xf32, #tpu.memory_space<vmem>>[vector<16xi32>], vector<16xf32>,
    tpu.vector_store_idx %arg11[%add3A_9], %gather3A : memref<3072xf32, #tpu.memory_space<vmem>>[vector<16xi32>], vector<16xf32>,
    %add3A_10 = arith.constant 1 : i32
    %add3A_11 = vector.broadcast %add3A_10 : i32 to vector<16xi32>
    %add3A_12 = arith.addi %add3A_9, %add3A_11 : vector<16xi32>
    %gather3A_13 = tpu.vector_load_idx %arg8[%get3A_6] : memref<16384xf32, #tpu.memory_space<vmem>>[vector<16xi32>], vector<16xf32>,
    tpu.vector_store_idx %arg11[%add3A_12], %gather3A_13 : memref<3072xf32, #tpu.memory_space<vmem>>[vector<16xi32>], vector<16xf32>,
    %add3A_14 = arith.constant 2 : i32
    %add3A_15 = vector.broadcast %add3A_14 : i32 to vector<16xi32>
    %add3A_16 = arith.addi %add3A_9, %add3A_15 : vector<16xi32>
    %gather3A_17 = tpu.vector_load_idx %arg9[%get3A_6] : memref<16384xf32, #tpu.memory_space<vmem>>[vector<16xi32>], vector<16xf32>,
    tpu.vector_store_idx %arg11[%add3A_16], %gather3A_17 : memref<3072xf32, #tpu.memory_space<vmem>>[vector<16xi32>], vector<16xf32>,
    %get3A_18 = arith.constant 16 : index
    %get3A_19 = tpu.vector_load %arg10[%get3A_18] {strides = array<i32>} : memref<1024xi32, #tpu.memory_space<vmem>>, vector<16xi32>,
    %add3A_20 = arith.constant 48 : i32
    %add3A_21 = vector.broadcast %add3A_20 : i32 to vector<16xi32>
    %add3A_22 = arith.addi %mul3A_5, %add3A_21 : vector<16xi32>
    %gather3A_23 = tpu.vector_load_idx %arg7[%get3A_19] : memref<16384xf32, #tpu.memory_space<vmem>>[vector<16xi32>], vector<16xf32>,
    tpu.vector_store_idx %arg11[%add3A_22], %gather3A_23 : memref<3072xf32, #tpu.memory_space<vmem>>[vector<16xi32>], vector<16xf32>,
    %add3A_24 = arith.constant 1 : i32
    %add3A_25 = vector.broadcast %add3A_24 : i32 to vector<16xi32>
    %add3A_26 = arith.addi %add3A_22, %add3A_25 : vector<16xi32>
    %gather3A_27 = tpu.vector_load_idx %arg8[%get3A_19] : memref<16384xf32, #tpu.memory_space<vmem>>[vector<16xi32>], vector<16xf32>,
    tpu.vector_store_idx %arg11[%add3A_26], %gather3A_27 : memref<3072xf32, #tpu.memory_space<vmem>>[vector<16xi32>], vector<16xf32>,
    %add3A_28 = arith.constant 2 : i32
    %add3A_29 = vector.broadcast %add3A_28 : i32 to vector<16xi32>
    %add3A_30 = arith.addi %add3A_22, %add3A_29 : vector<16xi32>
    %gather3A_31 = tpu.vector_load_idx %arg9[%get3A_19] : memref<16384xf32, #tpu.memory_space<vmem>>[vector<16xi32>], vector<16xf32>,
    tpu.vector_store_idx %arg11[%add3A_30], %gather3A_31 : memref<3072xf32, #tpu.memory_space<vmem>>[vector<16xi32>], vector<16xf32>,
    %get3A_32 = arith.constant 32 : index
    %get3A_33 = tpu.vector_load %arg10[%get3A_32] {strides = array<i32>} : memref<1024xi32, #tpu.memory_space<vmem>>, vector<16xi32>,
    %add3A_34 = arith.constant 96 : i32
    %add3A_35 = vector.broadcast %add3A_34 : i32 to vector<16xi32>
    %add3A_36 = arith.addi %mul3A_5, %add3A_35 : vector<16xi32>
    %gather3A_37 = tpu.vector_load_idx %arg7[%get3A_33] : memref<16384xf32, #tpu.memory_space<vmem>>[vector<16xi32>], vector<16xf32>,
    tpu.vector_store_idx %arg11[%add3A_36], %gather3A_37 : memref<3072xf32, #tpu.memory_space<vmem>>[vector<16xi32>], vector<16xf32>,
    %add3A_38 = arith.constant 1 : i32
    %add3A_39 = vector.broadcast %add3A_38 : i32 to vector<16xi32>
    %add3A_40 = arith.addi %add3A_36, %add3A_39 : vector<16xi32>
    %gather3A_41 = tpu.vector_load_idx %arg8[%get3A_33] : memref<16384xf32, #tpu.memory_space<vmem>>[vector<16xi32>], vector<16xf32>,
    tpu.vector_store_idx %arg11[%add3A_40], %gather3A_41 : memref<3072xf32, #tpu.memory_space<vmem>>[vector<16xi32>], vector<16xf32>,
    %add3A_42 = arith.constant 2 : i32
    %add3A_43 = vector.broadcast %add3A_42 : i32 to vector<16xi32>
    %add3A_44 = arith.addi %add3A_36, %add3A_43 : vector<16xi32>
    %gather3A_45 = tpu.vector_load_idx %arg9[%get3A_33] : memref<16384xf32, #tpu.memory_space<vmem>>[vector<16xi32>], vector<16xf32>,
    tpu.vector_store_idx %arg11[%add3A_44], %gather3A_45 : memref<3072xf32, #tpu.memory_space<vmem>>[vector<16xi32>], vector<16xf32>,
    %get3A_46 = arith.constant 48 : index
    %get3A_47 = tpu.vector_load %arg10[%get3A_46] {strides = array<i32>} : memref<1024xi32, #tpu.memory_space<vmem>>, vector<16xi32>,
    %add3A_48 = arith.constant 144 : i32
    %add3A_49 = vector.broadcast %add3A_48 : i32 to vector<16xi32>
    %add3A_50 = arith.addi %mul3A_5, %add3A_49 : vector<16xi32>
    %gather3A_51 = tpu.vector_load_idx %arg7[%get3A_47] : memref<16384xf32, #tpu.memory_space<vmem>>[vector<16xi32>], vector<16xf32>,
    tpu.vector_store_idx %arg11[%add3A_50], %gather3A_51 : memref<3072xf32, #tpu.memory_space<vmem>>[vector<16xi32>], vector<16xf32>,
    %add3A_52 = arith.constant 1 : i32
    %add3A_53 = vector.broadcast %add3A_52 : i32 to vector<16xi32>
    %add3A_54 = arith.addi %add3A_50, %add3A_53 : vector<16xi32>
    %gather3A_55 = tpu.vector_load_idx %arg8[%get3A_47] : memref<16384xf32, #tpu.memory_space<vmem>>[vector<16xi32>], vector<16xf32>,
    tpu.vector_store_idx %arg11[%add3A_54], %gather3A_55 : memref<3072xf32, #tpu.memory_space<vmem>>[vector<16xi32>], vector<16xf32>,
    %add3A_56 = arith.constant 2 : i32
    %add3A_57 = vector.broadcast %add3A_56 : i32 to vector<16xi32>
    %add3A_58 = arith.addi %add3A_50, %add3A_57 : vector<16xi32>
    %gather3A_59 = tpu.vector_load_idx %arg9[%get3A_47] : memref<16384xf32, #tpu.memory_space<vmem>>[vector<16xi32>], vector<16xf32>,
    tpu.vector_store_idx %arg11[%add3A_58], %gather3A_59 : memref<3072xf32, #tpu.memory_space<vmem>>[vector<16xi32>], vector<16xf32>,
    %get3A_60 = arith.constant 64 : index
    %get3A_61 = tpu.vector_load %arg10[%get3A_60] {strides = array<i32>} : memref<1024xi32, #tpu.memory_space<vmem>>, vector<16xi32>,
    %add3A_62 = arith.constant 192 : i32
    %add3A_63 = vector.broadcast %add3A_62 : i32 to vector<16xi32>
    %add3A_64 = arith.addi %mul3A_5, %add3A_63 : vector<16xi32>
    %gather3A_65 = tpu.vector_load_idx %arg7[%get3A_61] : memref<16384xf32, #tpu.memory_space<vmem>>[vector<16xi32>], vector<16xf32>,
    tpu.vector_store_idx %arg11[%add3A_64], %gather3A_65 : memref<3072xf32, #tpu.memory_space<vmem>>[vector<16xi32>], vector<16xf32>,
    %add3A_66 = arith.constant 1 : i32
    %add3A_67 = vector.broadcast %add3A_66 : i32 to vector<16xi32>
    %add3A_68 = arith.addi %add3A_64, %add3A_67 : vector<16xi32>
    %gather3A_69 = tpu.vector_load_idx %arg8[%get3A_61] : memref<16384xf32, #tpu.memory_space<vmem>>[vector<16xi32>], vector<16xf32>,
    tpu.vector_store_idx %arg11[%add3A_68], %gather3A_69 : memref<3072xf32, #tpu.memory_space<vmem>>[vector<16xi32>], vector<16xf32>,
    %add3A_70 = arith.constant 2 : i32
    %add3A_71 = vector.broadcast %add3A_70 : i32 to vector<16xi32>
    %add3A_72 = arith.addi %add3A_64, %add3A_71 : vector<16xi32>
    %gather3A_73 = tpu.vector_load_idx %arg9[%get3A_61] : memref<16384xf32, #tpu.memory_space<vmem>>[vector<16xi32>], vector<16xf32>,
    tpu.vector_store_idx %arg11[%add3A_72], %gather3A_73 : memref<3072xf32, #tpu.memory_space<vmem>>[vector<16xi32>], vector<16xf32>,
    %get3A_74 = arith.constant 80 : index
    %get3A_75 = tpu.vector_load %arg10[%get3A_74] {strides = array<i32>} : memref<1024xi32, #tpu.memory_space<vmem>>, vector<16xi32>,
    %add3A_76 = arith.constant 240 : i32
    %add3A_77 = vector.broadcast %add3A_76 : i32 to vector<16xi32>
    %add3A_78 = arith.addi %mul3A_5, %add3A_77 : vector<16xi32>
    %gather3A_79 = tpu.vector_load_idx %arg7[%get3A_75] : memref<16384xf32, #tpu.memory_space<vmem>>[vector<16xi32>], vector<16xf32>,
    tpu.vector_store_idx %arg11[%add3A_78], %gather3A_79 : memref<3072xf32, #tpu.memory_space<vmem>>[vector<16xi32>], vector<16xf32>,
    %add3A_80 = arith.constant 1 : i32
    %add3A_81 = vector.broadcast %add3A_80 : i32 to vector<16xi32>
    %add3A_82 = arith.addi %add3A_78, %add3A_81 : vector<16xi32>
    %gather3A_83 = tpu.vector_load_idx %arg8[%get3A_75] : memref<16384xf32, #tpu.memory_space<vmem>>[vector<16xi32>], vector<16xf32>,
    tpu.vector_store_idx %arg11[%add3A_82], %gather3A_83 : memref<3072xf32, #tpu.memory_space<vmem>>[vector<16xi32>], vector<16xf32>,
    %add3A_84 = arith.constant 2 : i32
    %add3A_85 = vector.broadcast %add3A_84 : i32 to vector<16xi32>
    %add3A_86 = arith.addi %add3A_78, %add3A_85 : vector<16xi32>
    %gather3A_87 = tpu.vector_load_idx %arg9[%get3A_75] : memref<16384xf32, #tpu.memory_space<vmem>>[vector<16xi32>], vector<16xf32>,
    tpu.vector_store_idx %arg11[%add3A_86], %gather3A_87 : memref<3072xf32, #tpu.memory_space<vmem>>[vector<16xi32>], vector<16xf32>,
    %get3A_88 = arith.constant 96 : index
    %get3A_89 = tpu.vector_load %arg10[%get3A_88] {strides = array<i32>} : memref<1024xi32, #tpu.memory_space<vmem>>, vector<16xi32>,
    %add3A_90 = arith.constant 288 : i32
    %add3A_91 = vector.broadcast %add3A_90 : i32 to vector<16xi32>
    %add3A_92 = arith.addi %mul3A_5, %add3A_91 : vector<16xi32>
    %gather3A_93 = tpu.vector_load_idx %arg7[%get3A_89] : memref<16384xf32, #tpu.memory_space<vmem>>[vector<16xi32>], vector<16xf32>,
    tpu.vector_store_idx %arg11[%add3A_92], %gather3A_93 : memref<3072xf32, #tpu.memory_space<vmem>>[vector<16xi32>], vector<16xf32>,
    %add3A_94 = arith.constant 1 : i32
    %add3A_95 = vector.broadcast %add3A_94 : i32 to vector<16xi32>
    %add3A_96 = arith.addi %add3A_92, %add3A_95 : vector<16xi32>
    %gather3A_97 = tpu.vector_load_idx %arg8[%get3A_89] : memref<16384xf32, #tpu.memory_space<vmem>>[vector<16xi32>], vector<16xf32>,
    tpu.vector_store_idx %arg11[%add3A_96], %gather3A_97 : memref<3072xf32, #tpu.memory_space<vmem>>[vector<16xi32>], vector<16xf32>,
    %add3A_98 = arith.constant 2 : i32
    %add3A_99 = vector.broadcast %add3A_98 : i32 to vector<16xi32>
    %add3A_100 = arith.addi %add3A_92, %add3A_99 : vector<16xi32>
    %gather3A_101 = tpu.vector_load_idx %arg9[%get3A_89] : memref<16384xf32, #tpu.memory_space<vmem>>[vector<16xi32>], vector<16xf32>,
    tpu.vector_store_idx %arg11[%add3A_100], %gather3A_101 : memref<3072xf32, #tpu.memory_space<vmem>>[vector<16xi32>], vector<16xf32>,
    %get3A_102 = arith.constant 112 : index
    %get3A_103 = tpu.vector_load %arg10[%get3A_102] {strides = array<i32>} : memref<1024xi32, #tpu.memory_space<vmem>>, vector<16xi32>,
    %add3A_104 = arith.constant 336 : i32
    %add3A_105 = vector.broadcast %add3A_104 : i32 to vector<16xi32>
    %add3A_106 = arith.addi %mul3A_5, %add3A_105 : vector<16xi32>
    %gather3A_107 = tpu.vector_load_idx %arg7[%get3A_103] : memref<16384xf32, #tpu.memory_space<vmem>>[vector<16xi32>], vector<16xf32>,
    tpu.vector_store_idx %arg11[%add3A_106], %gather3A_107 : memref<3072xf32, #tpu.memory_space<vmem>>[vector<16xi32>], vector<16xf32>,
    %add3A_108 = arith.constant 1 : i32
    %add3A_109 = vector.broadcast %add3A_108 : i32 to vector<16xi32>
    %add3A_110 = arith.addi %add3A_106, %add3A_109 : vector<16xi32>
    %gather3A_111 = tpu.vector_load_idx %arg8[%get3A_103] : memref<16384xf32, #tpu.memory_space<vmem>>[vector<16xi32>], vector<16xf32>,
    tpu.vector_store_idx %arg11[%add3A_110], %gather3A_111 : memref<3072xf32, #tpu.memory_space<vmem>>[vector<16xi32>], vector<16xf32>,
    %add3A_112 = arith.constant 2 : i32
    %add3A_113 = vector.broadcast %add3A_112 : i32 to vector<16xi32>
    %add3A_114 = arith.addi %add3A_106, %add3A_113 : vector<16xi32>
    %gather3A_115 = tpu.vector_load_idx %arg9[%get3A_103] : memref<16384xf32, #tpu.memory_space<vmem>>[vector<16xi32>], vector<16xf32>,
    tpu.vector_store_idx %arg11[%add3A_114], %gather3A_115 : memref<3072xf32, #tpu.memory_space<vmem>>[vector<16xi32>], vector<16xf32>,
    %get3A_116 = arith.constant 128 : index
    %get3A_117 = tpu.vector_load %arg10[%get3A_116] {strides = array<i32>} : memref<1024xi32, #tpu.memory_space<vmem>>, vector<16xi32>,
    %add3A_118 = arith.constant 384 : i32
    %add3A_119 = vector.broadcast %add3A_118 : i32 to vector<16xi32>
    %add3A_120 = arith.addi %mul3A_5, %add3A_119 : vector<16xi32>
    %gather3A_121 = tpu.vector_load_idx %arg7[%get3A_117] : memref<16384xf32, #tpu.memory_space<vmem>>[vector<16xi32>], vector<16xf32>,
    tpu.vector_store_idx %arg11[%add3A_120], %gather3A_121 : memref<3072xf32, #tpu.memory_space<vmem>>[vector<16xi32>], vector<16xf32>,
    %add3A_122 = arith.constant 1 : i32
    %add3A_123 = vector.broadcast %add3A_122 : i32 to vector<16xi32>
    %add3A_124 = arith.addi %add3A_120, %add3A_123 : vector<16xi32>
    %gather3A_125 = tpu.vector_load_idx %arg8[%get3A_117] : memref<16384xf32, #tpu.memory_space<vmem>>[vector<16xi32>], vector<16xf32>,
    tpu.vector_store_idx %arg11[%add3A_124], %gather3A_125 : memref<3072xf32, #tpu.memory_space<vmem>>[vector<16xi32>], vector<16xf32>,
    %add3A_126 = arith.constant 2 : i32
    %add3A_127 = vector.broadcast %add3A_126 : i32 to vector<16xi32>
    %add3A_128 = arith.addi %add3A_120, %add3A_127 : vector<16xi32>
    %gather3A_129 = tpu.vector_load_idx %arg9[%get3A_117] : memref<16384xf32, #tpu.memory_space<vmem>>[vector<16xi32>], vector<16xf32>,
    tpu.vector_store_idx %arg11[%add3A_128], %gather3A_129 : memref<3072xf32, #tpu.memory_space<vmem>>[vector<16xi32>], vector<16xf32>,
    %get3A_130 = arith.constant 144 : index
    %get3A_131 = tpu.vector_load %arg10[%get3A_130] {strides = array<i32>} : memref<1024xi32, #tpu.memory_space<vmem>>, vector<16xi32>,
    %add3A_132 = arith.constant 432 : i32
    %add3A_133 = vector.broadcast %add3A_132 : i32 to vector<16xi32>
    %add3A_134 = arith.addi %mul3A_5, %add3A_133 : vector<16xi32>
    %gather3A_135 = tpu.vector_load_idx %arg7[%get3A_131] : memref<16384xf32, #tpu.memory_space<vmem>>[vector<16xi32>], vector<16xf32>,
    tpu.vector_store_idx %arg11[%add3A_134], %gather3A_135 : memref<3072xf32, #tpu.memory_space<vmem>>[vector<16xi32>], vector<16xf32>,
    %add3A_136 = arith.constant 1 : i32
    %add3A_137 = vector.broadcast %add3A_136 : i32 to vector<16xi32>
    %add3A_138 = arith.addi %add3A_134, %add3A_137 : vector<16xi32>
    %gather3A_139 = tpu.vector_load_idx %arg8[%get3A_131] : memref<16384xf32, #tpu.memory_space<vmem>>[vector<16xi32>], vector<16xf32>,
    tpu.vector_store_idx %arg11[%add3A_138], %gather3A_139 : memref<3072xf32, #tpu.memory_space<vmem>>[vector<16xi32>], vector<16xf32>,
    %add3A_140 = arith.constant 2 : i32
    %add3A_141 = vector.broadcast %add3A_140 : i32 to vector<16xi32>
    %add3A_142 = arith.addi %add3A_134, %add3A_141 : vector<16xi32>
    %gather3A_143 = tpu.vector_load_idx %arg9[%get3A_131] : memref<16384xf32, #tpu.memory_space<vmem>>[vector<16xi32>], vector<16xf32>,
    tpu.vector_store_idx %arg11[%add3A_142], %gather3A_143 : memref<3072xf32, #tpu.memory_space<vmem>>[vector<16xi32>], vector<16xf32>,
    %get3A_144 = arith.constant 160 : index
    %get3A_145 = tpu.vector_load %arg10[%get3A_144] {strides = array<i32>} : memref<1024xi32, #tpu.memory_space<vmem>>, vector<16xi32>,
    %add3A_146 = arith.constant 480 : i32
    %add3A_147 = vector.broadcast %add3A_146 : i32 to vector<16xi32>
    %add3A_148 = arith.addi %mul3A_5, %add3A_147 : vector<16xi32>
    %gather3A_149 = tpu.vector_load_idx %arg7[%get3A_145] : memref<16384xf32, #tpu.memory_space<vmem>>[vector<16xi32>], vector<16xf32>,
    tpu.vector_store_idx %arg11[%add3A_148], %gather3A_149 : memref<3072xf32, #tpu.memory_space<vmem>>[vector<16xi32>], vector<16xf32>,
    %add3A_150 = arith.constant 1 : i32
    %add3A_151 = vector.broadcast %add3A_150 : i32 to vector<16xi32>
    %add3A_152 = arith.addi %add3A_148, %add3A_151 : vector<16xi32>
    %gather3A_153 = tpu.vector_load_idx %arg8[%get3A_145] : memref<16384xf32, #tpu.memory_space<vmem>>[vector<16xi32>], vector<16xf32>,
    tpu.vector_store_idx %arg11[%add3A_152], %gather3A_153 : memref<3072xf32, #tpu.memory_space<vmem>>[vector<16xi32>], vector<16xf32>,
    %add3A_154 = arith.constant 2 : i32
    %add3A_155 = vector.broadcast %add3A_154 : i32 to vector<16xi32>
    %add3A_156 = arith.addi %add3A_148, %add3A_155 : vector<16xi32>
    %gather3A_157 = tpu.vector_load_idx %arg9[%get3A_145] : memref<16384xf32, #tpu.memory_space<vmem>>[vector<16xi32>], vector<16xf32>,
    tpu.vector_store_idx %arg11[%add3A_156], %gather3A_157 : memref<3072xf32, #tpu.memory_space<vmem>>[vector<16xi32>], vector<16xf32>,
    %get3A_158 = arith.constant 176 : index
    %get3A_159 = tpu.vector_load %arg10[%get3A_158] {strides = array<i32>} : memref<1024xi32, #tpu.memory_space<vmem>>, vector<16xi32>,
    %add3A_160 = arith.constant 528 : i32
    %add3A_161 = vector.broadcast %add3A_160 : i32 to vector<16xi32>
    %add3A_162 = arith.addi %mul3A_5, %add3A_161 : vector<16xi32>
    %gather3A_163 = tpu.vector_load_idx %arg7[%get3A_159] : memref<16384xf32, #tpu.memory_space<vmem>>[vector<16xi32>], vector<16xf32>,
    tpu.vector_store_idx %arg11[%add3A_162], %gather3A_163 : memref<3072xf32, #tpu.memory_space<vmem>>[vector<16xi32>], vector<16xf32>,
    %add3A_164 = arith.constant 1 : i32
    %add3A_165 = vector.broadcast %add3A_164 : i32 to vector<16xi32>
    %add3A_166 = arith.addi %add3A_162, %add3A_165 : vector<16xi32>
    %gather3A_167 = tpu.vector_load_idx %arg8[%get3A_159] : memref<16384xf32, #tpu.memory_space<vmem>>[vector<16xi32>], vector<16xf32>,
    tpu.vector_store_idx %arg11[%add3A_166], %gather3A_167 : memref<3072xf32, #tpu.memory_space<vmem>>[vector<16xi32>], vector<16xf32>,
    %add3A_168 = arith.constant 2 : i32
    %add3A_169 = vector.broadcast %add3A_168 : i32 to vector<16xi32>
    %add3A_170 = arith.addi %add3A_162, %add3A_169 : vector<16xi32>
    %gather3A_171 = tpu.vector_load_idx %arg9[%get3A_159] : memref<16384xf32, #tpu.memory_space<vmem>>[vector<16xi32>], vector<16xf32>,
    tpu.vector_store_idx %arg11[%add3A_170], %gather3A_171 : memref<3072xf32, #tpu.memory_space<vmem>>[vector<16xi32>], vector<16xf32>,
    %get3A_172 = arith.constant 192 : index
    %get3A_173 = tpu.vector_load %arg10[%get3A_172] {strides = array<i32>} : memref<1024xi32, #tpu.memory_space<vmem>>, vector<16xi32>,
    %add3A_174 = arith.constant 576 : i32
    %add3A_175 = vector.broadcast %add3A_174 : i32 to vector<16xi32>
    %add3A_176 = arith.addi %mul3A_5, %add3A_175 : vector<16xi32>
    %gather3A_177 = tpu.vector_load_idx %arg7[%get3A_173] : memref<16384xf32, #tpu.memory_space<vmem>>[vector<16xi32>], vector<16xf32>,
    tpu.vector_store_idx %arg11[%add3A_176], %gather3A_177 : memref<3072xf32, #tpu.memory_space<vmem>>[vector<16xi32>], vector<16xf32>,
    %add3A_178 = arith.constant 1 : i32
    %add3A_179 = vector.broadcast %add3A_178 : i32 to vector<16xi32>
    %add3A_180 = arith.addi %add3A_176, %add3A_179 : vector<16xi32>
    %gather3A_181 = tpu.vector_load_idx %arg8[%get3A_173] : memref<16384xf32, #tpu.memory_space<vmem>>[vector<16xi32>], vector<16xf32>,
    tpu.vector_store_idx %arg11[%add3A_180], %gather3A_181 : memref<3072xf32, #tpu.memory_space<vmem>>[vector<16xi32>], vector<16xf32>,
    %add3A_182 = arith.constant 2 : i32
    %add3A_183 = vector.broadcast %add3A_182 : i32 to vector<16xi32>
    %add3A_184 = arith.addi %add3A_176, %add3A_183 : vector<16xi32>
    %gather3A_185 = tpu.vector_load_idx %arg9[%get3A_173] : memref<16384xf32, #tpu.memory_space<vmem>>[vector<16xi32>], vector<16xf32>,
    tpu.vector_store_idx %arg11[%add3A_184], %gather3A_185 : memref<3072xf32, #tpu.memory_space<vmem>>[vector<16xi32>], vector<16xf32>,
    %get3A_186 = arith.constant 208 : index
    %get3A_187 = tpu.vector_load %arg10[%get3A_186] {strides = array<i32>} : memref<1024xi32, #tpu.memory_space<vmem>>, vector<16xi32>,
    %add3A_188 = arith.constant 624 : i32
    %add3A_189 = vector.broadcast %add3A_188 : i32 to vector<16xi32>
    %add3A_190 = arith.addi %mul3A_5, %add3A_189 : vector<16xi32>
    %gather3A_191 = tpu.vector_load_idx %arg7[%get3A_187] : memref<16384xf32, #tpu.memory_space<vmem>>[vector<16xi32>], vector<16xf32>,
    tpu.vector_store_idx %arg11[%add3A_190], %gather3A_191 : memref<3072xf32, #tpu.memory_space<vmem>>[vector<16xi32>], vector<16xf32>,
    %add3A_192 = arith.constant 1 : i32
    %add3A_193 = vector.broadcast %add3A_192 : i32 to vector<16xi32>
    %add3A_194 = arith.addi %add3A_190, %add3A_193 : vector<16xi32>
    %gather3A_195 = tpu.vector_load_idx %arg8[%get3A_187] : memref<16384xf32, #tpu.memory_space<vmem>>[vector<16xi32>], vector<16xf32>,
    tpu.vector_store_idx %arg11[%add3A_194], %gather3A_195 : memref<3072xf32, #tpu.memory_space<vmem>>[vector<16xi32>], vector<16xf32>,
    %add3A_196 = arith.constant 2 : i32
    %add3A_197 = vector.broadcast %add3A_196 : i32 to vector<16xi32>
    %add3A_198 = arith.addi %add3A_190, %add3A_197 : vector<16xi32>
    %gather3A_199 = tpu.vector_load_idx %arg9[%get3A_187] : memref<16384xf32, #tpu.memory_space<vmem>>[vector<16xi32>], vector<16xf32>,
    tpu.vector_store_idx %arg11[%add3A_198], %gather3A_199 : memref<3072xf32, #tpu.memory_space<vmem>>[vector<16xi32>], vector<16xf32>,
    %get3A_200 = arith.constant 224 : index
    %get3A_201 = tpu.vector_load %arg10[%get3A_200] {strides = array<i32>} : memref<1024xi32, #tpu.memory_space<vmem>>, vector<16xi32>,
    %add3A_202 = arith.constant 672 : i32
    %add3A_203 = vector.broadcast %add3A_202 : i32 to vector<16xi32>
    %add3A_204 = arith.addi %mul3A_5, %add3A_203 : vector<16xi32>
    %gather3A_205 = tpu.vector_load_idx %arg7[%get3A_201] : memref<16384xf32, #tpu.memory_space<vmem>>[vector<16xi32>], vector<16xf32>,
    tpu.vector_store_idx %arg11[%add3A_204], %gather3A_205 : memref<3072xf32, #tpu.memory_space<vmem>>[vector<16xi32>], vector<16xf32>,
    %add3A_206 = arith.constant 1 : i32
    %add3A_207 = vector.broadcast %add3A_206 : i32 to vector<16xi32>
    %add3A_208 = arith.addi %add3A_204, %add3A_207 : vector<16xi32>
    %gather3A_209 = tpu.vector_load_idx %arg8[%get3A_201] : memref<16384xf32, #tpu.memory_space<vmem>>[vector<16xi32>], vector<16xf32>,
    tpu.vector_store_idx %arg11[%add3A_208], %gather3A_209 : memref<3072xf32, #tpu.memory_space<vmem>>[vector<16xi32>], vector<16xf32>,
    %add3A_210 = arith.constant 2 : i32
    %add3A_211 = vector.broadcast %add3A_210 : i32 to vector<16xi32>
    %add3A_212 = arith.addi %add3A_204, %add3A_211 : vector<16xi32>
    %gather3A_213 = tpu.vector_load_idx %arg9[%get3A_201] : memref<16384xf32, #tpu.memory_space<vmem>>[vector<16xi32>], vector<16xf32>,
    tpu.vector_store_idx %arg11[%add3A_212], %gather3A_213 : memref<3072xf32, #tpu.memory_space<vmem>>[vector<16xi32>], vector<16xf32>,
    %get3A_214 = arith.constant 240 : index
    %get3A_215 = tpu.vector_load %arg10[%get3A_214] {strides = array<i32>} : memref<1024xi32, #tpu.memory_space<vmem>>, vector<16xi32>,
    %add3A_216 = arith.constant 720 : i32
    %add3A_217 = vector.broadcast %add3A_216 : i32 to vector<16xi32>
    %add3A_218 = arith.addi %mul3A_5, %add3A_217 : vector<16xi32>
    %gather3A_219 = tpu.vector_load_idx %arg7[%get3A_215] : memref<16384xf32, #tpu.memory_space<vmem>>[vector<16xi32>], vector<16xf32>,
    tpu.vector_store_idx %arg11[%add3A_218], %gather3A_219 : memref<3072xf32, #tpu.memory_space<vmem>>[vector<16xi32>], vector<16xf32>,
    %add3A_220 = arith.constant 1 : i32
    %add3A_221 = vector.broadcast %add3A_220 : i32 to vector<16xi32>
    %add3A_222 = arith.addi %add3A_218, %add3A_221 : vector<16xi32>
    %gather3A_223 = tpu.vector_load_idx %arg8[%get3A_215] : memref<16384xf32, #tpu.memory_space<vmem>>[vector<16xi32>], vector<16xf32>,
    tpu.vector_store_idx %arg11[%add3A_222], %gather3A_223 : memref<3072xf32, #tpu.memory_space<vmem>>[vector<16xi32>], vector<16xf32>,
    %add3A_224 = arith.constant 2 : i32
    %add3A_225 = vector.broadcast %add3A_224 : i32 to vector<16xi32>
    %add3A_226 = arith.addi %add3A_218, %add3A_225 : vector<16xi32>
    %gather3A_227 = tpu.vector_load_idx %arg9[%get3A_215] : memref<16384xf32, #tpu.memory_space<vmem>>[vector<16xi32>], vector<16xf32>,
    tpu.vector_store_idx %arg11[%add3A_226], %gather3A_227 : memref<3072xf32, #tpu.memory_space<vmem>>[vector<16xi32>], vector<16xf32>,
    %get3A_228 = arith.constant 256 : index
    %get3A_229 = tpu.vector_load %arg10[%get3A_228] {strides = array<i32>} : memref<1024xi32, #tpu.memory_space<vmem>>, vector<16xi32>,
    %add3A_230 = arith.constant 768 : i32
    %add3A_231 = vector.broadcast %add3A_230 : i32 to vector<16xi32>
    %add3A_232 = arith.addi %mul3A_5, %add3A_231 : vector<16xi32>
    %gather3A_233 = tpu.vector_load_idx %arg7[%get3A_229] : memref<16384xf32, #tpu.memory_space<vmem>>[vector<16xi32>], vector<16xf32>,
    tpu.vector_store_idx %arg11[%add3A_232], %gather3A_233 : memref<3072xf32, #tpu.memory_space<vmem>>[vector<16xi32>], vector<16xf32>,
    %add3A_234 = arith.constant 1 : i32
    %add3A_235 = vector.broadcast %add3A_234 : i32 to vector<16xi32>
    %add3A_236 = arith.addi %add3A_232, %add3A_235 : vector<16xi32>
    %gather3A_237 = tpu.vector_load_idx %arg8[%get3A_229] : memref<16384xf32, #tpu.memory_space<vmem>>[vector<16xi32>], vector<16xf32>,
    tpu.vector_store_idx %arg11[%add3A_236], %gather3A_237 : memref<3072xf32, #tpu.memory_space<vmem>>[vector<16xi32>], vector<16xf32>,
    %add3A_238 = arith.constant 2 : i32
    %add3A_239 = vector.broadcast %add3A_238 : i32 to vector<16xi32>
    %add3A_240 = arith.addi %add3A_232, %add3A_239 : vector<16xi32>
    %gather3A_241 = tpu.vector_load_idx %arg9[%get3A_229] : memref<16384xf32, #tpu.memory_space<vmem>>[vector<16xi32>], vector<16xf32>,
    tpu.vector_store_idx %arg11[%add3A_240], %gather3A_241 : memref<3072xf32, #tpu.memory_space<vmem>>[vector<16xi32>], vector<16xf32>,
    %get3A_242 = arith.constant 272 : index
    %get3A_243 = tpu.vector_load %arg10[%get3A_242] {strides = array<i32>} : memref<1024xi32, #tpu.memory_space<vmem>>, vector<16xi32>,
    %add3A_244 = arith.constant 816 : i32
    %add3A_245 = vector.broadcast %add3A_244 : i32 to vector<16xi32>
    %add3A_246 = arith.addi %mul3A_5, %add3A_245 : vector<16xi32>
    %gather3A_247 = tpu.vector_load_idx %arg7[%get3A_243] : memref<16384xf32, #tpu.memory_space<vmem>>[vector<16xi32>], vector<16xf32>,
    tpu.vector_store_idx %arg11[%add3A_246], %gather3A_247 : memref<3072xf32, #tpu.memory_space<vmem>>[vector<16xi32>], vector<16xf32>,
    %add3A_248 = arith.constant 1 : i32
    %add3A_249 = vector.broadcast %add3A_248 : i32 to vector<16xi32>
    %add3A_250 = arith.addi %add3A_246, %add3A_249 : vector<16xi32>
    %gather3A_251 = tpu.vector_load_idx %arg8[%get3A_243] : memref<16384xf32, #tpu.memory_space<vmem>>[vector<16xi32>], vector<16xf32>,
    tpu.vector_store_idx %arg11[%add3A_250], %gather3A_251 : memref<3072xf32, #tpu.memory_space<vmem>>[vector<16xi32>], vector<16xf32>,
    %add3A_252 = arith.constant 2 : i32
    %add3A_253 = vector.broadcast %add3A_252 : i32 to vector<16xi32>
    %add3A_254 = arith.addi %add3A_246, %add3A_253 : vector<16xi32>
    %gather3A_255 = tpu.vector_load_idx %arg9[%get3A_243] : memref<16384xf32, #tpu.memory_space<vmem>>[vector<16xi32>], vector<16xf32>,
    tpu.vector_store_idx %arg11[%add3A_254], %gather3A_255 : memref<3072xf32, #tpu.memory_space<vmem>>[vector<16xi32>], vector<16xf32>,
    %get3A_256 = arith.constant 288 : index
    %get3A_257 = tpu.vector_load %arg10[%get3A_256] {strides = array<i32>} : memref<1024xi32, #tpu.memory_space<vmem>>, vector<16xi32>,
    %add3A_258 = arith.constant 864 : i32
    %add3A_259 = vector.broadcast %add3A_258 : i32 to vector<16xi32>
    %add3A_260 = arith.addi %mul3A_5, %add3A_259 : vector<16xi32>
    %gather3A_261 = tpu.vector_load_idx %arg7[%get3A_257] : memref<16384xf32, #tpu.memory_space<vmem>>[vector<16xi32>], vector<16xf32>,
    tpu.vector_store_idx %arg11[%add3A_260], %gather3A_261 : memref<3072xf32, #tpu.memory_space<vmem>>[vector<16xi32>], vector<16xf32>,
    %add3A_262 = arith.constant 1 : i32
    %add3A_263 = vector.broadcast %add3A_262 : i32 to vector<16xi32>
    %add3A_264 = arith.addi %add3A_260, %add3A_263 : vector<16xi32>
    %gather3A_265 = tpu.vector_load_idx %arg8[%get3A_257] : memref<16384xf32, #tpu.memory_space<vmem>>[vector<16xi32>], vector<16xf32>,
    tpu.vector_store_idx %arg11[%add3A_264], %gather3A_265 : memref<3072xf32, #tpu.memory_space<vmem>>[vector<16xi32>], vector<16xf32>,
    %add3A_266 = arith.constant 2 : i32
    %add3A_267 = vector.broadcast %add3A_266 : i32 to vector<16xi32>
    %add3A_268 = arith.addi %add3A_260, %add3A_267 : vector<16xi32>
    %gather3A_269 = tpu.vector_load_idx %arg9[%get3A_257] : memref<16384xf32, #tpu.memory_space<vmem>>[vector<16xi32>], vector<16xf32>,
    tpu.vector_store_idx %arg11[%add3A_268], %gather3A_269 : memref<3072xf32, #tpu.memory_space<vmem>>[vector<16xi32>], vector<16xf32>,
    %get3A_270 = arith.constant 304 : index
    %get3A_271 = tpu.vector_load %arg10[%get3A_270] {strides = array<i32>} : memref<1024xi32, #tpu.memory_space<vmem>>, vector<16xi32>,
    %add3A_272 = arith.constant 912 : i32
    %add3A_273 = vector.broadcast %add3A_272 : i32 to vector<16xi32>
    %add3A_274 = arith.addi %mul3A_5, %add3A_273 : vector<16xi32>
    %gather3A_275 = tpu.vector_load_idx %arg7[%get3A_271] : memref<16384xf32, #tpu.memory_space<vmem>>[vector<16xi32>], vector<16xf32>,
    tpu.vector_store_idx %arg11[%add3A_274], %gather3A_275 : memref<3072xf32, #tpu.memory_space<vmem>>[vector<16xi32>], vector<16xf32>,
    %add3A_276 = arith.constant 1 : i32
    %add3A_277 = vector.broadcast %add3A_276 : i32 to vector<16xi32>
    %add3A_278 = arith.addi %add3A_274, %add3A_277 : vector<16xi32>
    %gather3A_279 = tpu.vector_load_idx %arg8[%get3A_271] : memref<16384xf32, #tpu.memory_space<vmem>>[vector<16xi32>], vector<16xf32>,
    tpu.vector_store_idx %arg11[%add3A_278], %gather3A_279 : memref<3072xf32, #tpu.memory_space<vmem>>[vector<16xi32>], vector<16xf32>,
    %add3A_280 = arith.constant 2 : i32
    %add3A_281 = vector.broadcast %add3A_280 : i32 to vector<16xi32>
    %add3A_282 = arith.addi %add3A_274, %add3A_281 : vector<16xi32>
    %gather3A_283 = tpu.vector_load_idx %arg9[%get3A_271] : memref<16384xf32, #tpu.memory_space<vmem>>[vector<16xi32>], vector<16xf32>,
    tpu.vector_store_idx %arg11[%add3A_282], %gather3A_283 : memref<3072xf32, #tpu.memory_space<vmem>>[vector<16xi32>], vector<16xf32>,
    %get3A_284 = arith.constant 320 : index
    %get3A_285 = tpu.vector_load %arg10[%get3A_284] {strides = array<i32>} : memref<1024xi32, #tpu.memory_space<vmem>>, vector<16xi32>,
    %add3A_286 = arith.constant 960 : i32
    %add3A_287 = vector.broadcast %add3A_286 : i32 to vector<16xi32>
    %add3A_288 = arith.addi %mul3A_5, %add3A_287 : vector<16xi32>
    %gather3A_289 = tpu.vector_load_idx %arg7[%get3A_285] : memref<16384xf32, #tpu.memory_space<vmem>>[vector<16xi32>], vector<16xf32>,
    tpu.vector_store_idx %arg11[%add3A_288], %gather3A_289 : memref<3072xf32, #tpu.memory_space<vmem>>[vector<16xi32>], vector<16xf32>,
    %add3A_290 = arith.constant 1 : i32
    %add3A_291 = vector.broadcast %add3A_290 : i32 to vector<16xi32>
    %add3A_292 = arith.addi %add3A_288, %add3A_291 : vector<16xi32>
    %gather3A_293 = tpu.vector_load_idx %arg8[%get3A_285] : memref<16384xf32, #tpu.memory_space<vmem>>[vector<16xi32>], vector<16xf32>,
    tpu.vector_store_idx %arg11[%add3A_292], %gather3A_293 : memref<3072xf32, #tpu.memory_space<vmem>>[vector<16xi32>], vector<16xf32>,
    %add3A_294 = arith.constant 2 : i32
    %add3A_295 = vector.broadcast %add3A_294 : i32 to vector<16xi32>
    %add3A_296 = arith.addi %add3A_288, %add3A_295 : vector<16xi32>
    %gather3A_297 = tpu.vector_load_idx %arg9[%get3A_285] : memref<16384xf32, #tpu.memory_space<vmem>>[vector<16xi32>], vector<16xf32>,
    tpu.vector_store_idx %arg11[%add3A_296], %gather3A_297 : memref<3072xf32, #tpu.memory_space<vmem>>[vector<16xi32>], vector<16xf32>,
    %get3A_298 = arith.constant 336 : index
    %get3A_299 = tpu.vector_load %arg10[%get3A_298] {strides = array<i32>} : memref<1024xi32, #tpu.memory_space<vmem>>, vector<16xi32>,
    %add3A_300 = arith.constant 1008 : i32
    %add3A_301 = vector.broadcast %add3A_300 : i32 to vector<16xi32>
    %add3A_302 = arith.addi %mul3A_5, %add3A_301 : vector<16xi32>
    %gather3A_303 = tpu.vector_load_idx %arg7[%get3A_299] : memref<16384xf32, #tpu.memory_space<vmem>>[vector<16xi32>], vector<16xf32>,
    tpu.vector_store_idx %arg11[%add3A_302], %gather3A_303 : memref<3072xf32, #tpu.memory_space<vmem>>[vector<16xi32>], vector<16xf32>,
    %add3A_304 = arith.constant 1 : i32
    %add3A_305 = vector.broadcast %add3A_304 : i32 to vector<16xi32>
    %add3A_306 = arith.addi %add3A_302, %add3A_305 : vector<16xi32>
    %gather3A_307 = tpu.vector_load_idx %arg8[%get3A_299] : memref<16384xf32, #tpu.memory_space<vmem>>[vector<16xi32>], vector<16xf32>,
    tpu.vector_store_idx %arg11[%add3A_306], %gather3A_307 : memref<3072xf32, #tpu.memory_space<vmem>>[vector<16xi32>], vector<16xf32>,
    %add3A_308 = arith.constant 2 : i32
    %add3A_309 = vector.broadcast %add3A_308 : i32 to vector<16xi32>
    %add3A_310 = arith.addi %add3A_302, %add3A_309 : vector<16xi32>
    %gather3A_311 = tpu.vector_load_idx %arg9[%get3A_299] : memref<16384xf32, #tpu.memory_space<vmem>>[vector<16xi32>], vector<16xf32>,
    tpu.vector_store_idx %arg11[%add3A_310], %gather3A_311 : memref<3072xf32, #tpu.memory_space<vmem>>[vector<16xi32>], vector<16xf32>,
    %get3A_312 = arith.constant 352 : index
    %get3A_313 = tpu.vector_load %arg10[%get3A_312] {strides = array<i32>} : memref<1024xi32, #tpu.memory_space<vmem>>, vector<16xi32>,
    %add3A_314 = arith.constant 1056 : i32
    %add3A_315 = vector.broadcast %add3A_314 : i32 to vector<16xi32>
    %add3A_316 = arith.addi %mul3A_5, %add3A_315 : vector<16xi32>
    %gather3A_317 = tpu.vector_load_idx %arg7[%get3A_313] : memref<16384xf32, #tpu.memory_space<vmem>>[vector<16xi32>], vector<16xf32>,
    tpu.vector_store_idx %arg11[%add3A_316], %gather3A_317 : memref<3072xf32, #tpu.memory_space<vmem>>[vector<16xi32>], vector<16xf32>,
    %add3A_318 = arith.constant 1 : i32
    %add3A_319 = vector.broadcast %add3A_318 : i32 to vector<16xi32>
    %add3A_320 = arith.addi %add3A_316, %add3A_319 : vector<16xi32>
    %gather3A_321 = tpu.vector_load_idx %arg8[%get3A_313] : memref<16384xf32, #tpu.memory_space<vmem>>[vector<16xi32>], vector<16xf32>,
    tpu.vector_store_idx %arg11[%add3A_320], %gather3A_321 : memref<3072xf32, #tpu.memory_space<vmem>>[vector<16xi32>], vector<16xf32>,
    %add3A_322 = arith.constant 2 : i32
    %add3A_323 = vector.broadcast %add3A_322 : i32 to vector<16xi32>
    %add3A_324 = arith.addi %add3A_316, %add3A_323 : vector<16xi32>
    %gather3A_325 = tpu.vector_load_idx %arg9[%get3A_313] : memref<16384xf32, #tpu.memory_space<vmem>>[vector<16xi32>], vector<16xf32>,
    tpu.vector_store_idx %arg11[%add3A_324], %gather3A_325 : memref<3072xf32, #tpu.memory_space<vmem>>[vector<16xi32>], vector<16xf32>,
    %get3A_326 = arith.constant 368 : index
    %get3A_327 = tpu.vector_load %arg10[%get3A_326] {strides = array<i32>} : memref<1024xi32, #tpu.memory_space<vmem>>, vector<16xi32>,
    %add3A_328 = arith.constant 1104 : i32
    %add3A_329 = vector.broadcast %add3A_328 : i32 to vector<16xi32>
    %add3A_330 = arith.addi %mul3A_5, %add3A_329 : vector<16xi32>
    %gather3A_331 = tpu.vector_load_idx %arg7[%get3A_327] : memref<16384xf32, #tpu.memory_space<vmem>>[vector<16xi32>], vector<16xf32>,
    tpu.vector_store_idx %arg11[%add3A_330], %gather3A_331 : memref<3072xf32, #tpu.memory_space<vmem>>[vector<16xi32>], vector<16xf32>,
    %add3A_332 = arith.constant 1 : i32
    %add3A_333 = vector.broadcast %add3A_332 : i32 to vector<16xi32>
    %add3A_334 = arith.addi %add3A_330, %add3A_333 : vector<16xi32>
    %gather3A_335 = tpu.vector_load_idx %arg8[%get3A_327] : memref<16384xf32, #tpu.memory_space<vmem>>[vector<16xi32>], vector<16xf32>,
    tpu.vector_store_idx %arg11[%add3A_334], %gather3A_335 : memref<3072xf32, #tpu.memory_space<vmem>>[vector<16xi32>], vector<16xf32>,
    %add3A_336 = arith.constant 2 : i32
    %add3A_337 = vector.broadcast %add3A_336 : i32 to vector<16xi32>
    %add3A_338 = arith.addi %add3A_330, %add3A_337 : vector<16xi32>
    %gather3A_339 = tpu.vector_load_idx %arg9[%get3A_327] : memref<16384xf32, #tpu.memory_space<vmem>>[vector<16xi32>], vector<16xf32>,
    tpu.vector_store_idx %arg11[%add3A_338], %gather3A_339 : memref<3072xf32, #tpu.memory_space<vmem>>[vector<16xi32>], vector<16xf32>,
    %get3A_340 = arith.constant 384 : index
    %get3A_341 = tpu.vector_load %arg10[%get3A_340] {strides = array<i32>} : memref<1024xi32, #tpu.memory_space<vmem>>, vector<16xi32>,
    %add3A_342 = arith.constant 1152 : i32
    %add3A_343 = vector.broadcast %add3A_342 : i32 to vector<16xi32>
    %add3A_344 = arith.addi %mul3A_5, %add3A_343 : vector<16xi32>
    %gather3A_345 = tpu.vector_load_idx %arg7[%get3A_341] : memref<16384xf32, #tpu.memory_space<vmem>>[vector<16xi32>], vector<16xf32>,
    tpu.vector_store_idx %arg11[%add3A_344], %gather3A_345 : memref<3072xf32, #tpu.memory_space<vmem>>[vector<16xi32>], vector<16xf32>,
    %add3A_346 = arith.constant 1 : i32
    %add3A_347 = vector.broadcast %add3A_346 : i32 to vector<16xi32>
    %add3A_348 = arith.addi %add3A_344, %add3A_347 : vector<16xi32>
    %gather3A_349 = tpu.vector_load_idx %arg8[%get3A_341] : memref<16384xf32, #tpu.memory_space<vmem>>[vector<16xi32>], vector<16xf32>,
    tpu.vector_store_idx %arg11[%add3A_348], %gather3A_349 : memref<3072xf32, #tpu.memory_space<vmem>>[vector<16xi32>], vector<16xf32>,
    %add3A_350 = arith.constant 2 : i32
    %add3A_351 = vector.broadcast %add3A_350 : i32 to vector<16xi32>
    %add3A_352 = arith.addi %add3A_344, %add3A_351 : vector<16xi32>
    %gather3A_353 = tpu.vector_load_idx %arg9[%get3A_341] : memref<16384xf32, #tpu.memory_space<vmem>>[vector<16xi32>], vector<16xf32>,
    tpu.vector_store_idx %arg11[%add3A_352], %gather3A_353 : memref<3072xf32, #tpu.memory_space<vmem>>[vector<16xi32>], vector<16xf32>,
    %get3A_354 = arith.constant 400 : index
    %get3A_355 = tpu.vector_load %arg10[%get3A_354] {strides = array<i32>} : memref<1024xi32, #tpu.memory_space<vmem>>, vector<16xi32>,
    %add3A_356 = arith.constant 1200 : i32
    %add3A_357 = vector.broadcast %add3A_356 : i32 to vector<16xi32>
    %add3A_358 = arith.addi %mul3A_5, %add3A_357 : vector<16xi32>
    %gather3A_359 = tpu.vector_load_idx %arg7[%get3A_355] : memref<16384xf32, #tpu.memory_space<vmem>>[vector<16xi32>], vector<16xf32>,
    tpu.vector_store_idx %arg11[%add3A_358], %gather3A_359 : memref<3072xf32, #tpu.memory_space<vmem>>[vector<16xi32>], vector<16xf32>,
    %add3A_360 = arith.constant 1 : i32
    %add3A_361 = vector.broadcast %add3A_360 : i32 to vector<16xi32>
    %add3A_362 = arith.addi %add3A_358, %add3A_361 : vector<16xi32>
    %gather3A_363 = tpu.vector_load_idx %arg8[%get3A_355] : memref<16384xf32, #tpu.memory_space<vmem>>[vector<16xi32>], vector<16xf32>,
    tpu.vector_store_idx %arg11[%add3A_362], %gather3A_363 : memref<3072xf32, #tpu.memory_space<vmem>>[vector<16xi32>], vector<16xf32>,
    %add3A_364 = arith.constant 2 : i32
    %add3A_365 = vector.broadcast %add3A_364 : i32 to vector<16xi32>
    %add3A_366 = arith.addi %add3A_358, %add3A_365 : vector<16xi32>
    %gather3A_367 = tpu.vector_load_idx %arg9[%get3A_355] : memref<16384xf32, #tpu.memory_space<vmem>>[vector<16xi32>], vector<16xf32>,
    tpu.vector_store_idx %arg11[%add3A_366], %gather3A_367 : memref<3072xf32, #tpu.memory_space<vmem>>[vector<16xi32>], vector<16xf32>,
    %get3A_368 = arith.constant 416 : index
    %get3A_369 = tpu.vector_load %arg10[%get3A_368] {strides = array<i32>} : memref<1024xi32, #tpu.memory_space<vmem>>, vector<16xi32>,
    %add3A_370 = arith.constant 1248 : i32
    %add3A_371 = vector.broadcast %add3A_370 : i32 to vector<16xi32>
    %add3A_372 = arith.addi %mul3A_5, %add3A_371 : vector<16xi32>
    %gather3A_373 = tpu.vector_load_idx %arg7[%get3A_369] : memref<16384xf32, #tpu.memory_space<vmem>>[vector<16xi32>], vector<16xf32>,
    tpu.vector_store_idx %arg11[%add3A_372], %gather3A_373 : memref<3072xf32, #tpu.memory_space<vmem>>[vector<16xi32>], vector<16xf32>,
    %add3A_374 = arith.constant 1 : i32
    %add3A_375 = vector.broadcast %add3A_374 : i32 to vector<16xi32>
    %add3A_376 = arith.addi %add3A_372, %add3A_375 : vector<16xi32>
    %gather3A_377 = tpu.vector_load_idx %arg8[%get3A_369] : memref<16384xf32, #tpu.memory_space<vmem>>[vector<16xi32>], vector<16xf32>,
    tpu.vector_store_idx %arg11[%add3A_376], %gather3A_377 : memref<3072xf32, #tpu.memory_space<vmem>>[vector<16xi32>], vector<16xf32>,
    %add3A_378 = arith.constant 2 : i32
    %add3A_379 = vector.broadcast %add3A_378 : i32 to vector<16xi32>
    %add3A_380 = arith.addi %add3A_372, %add3A_379 : vector<16xi32>
    %gather3A_381 = tpu.vector_load_idx %arg9[%get3A_369] : memref<16384xf32, #tpu.memory_space<vmem>>[vector<16xi32>], vector<16xf32>,
    tpu.vector_store_idx %arg11[%add3A_380], %gather3A_381 : memref<3072xf32, #tpu.memory_space<vmem>>[vector<16xi32>], vector<16xf32>,
    %get3A_382 = arith.constant 432 : index
    %get3A_383 = tpu.vector_load %arg10[%get3A_382] {strides = array<i32>} : memref<1024xi32, #tpu.memory_space<vmem>>, vector<16xi32>,
    %add3A_384 = arith.constant 1296 : i32
    %add3A_385 = vector.broadcast %add3A_384 : i32 to vector<16xi32>
    %add3A_386 = arith.addi %mul3A_5, %add3A_385 : vector<16xi32>
    %gather3A_387 = tpu.vector_load_idx %arg7[%get3A_383] : memref<16384xf32, #tpu.memory_space<vmem>>[vector<16xi32>], vector<16xf32>,
    tpu.vector_store_idx %arg11[%add3A_386], %gather3A_387 : memref<3072xf32, #tpu.memory_space<vmem>>[vector<16xi32>], vector<16xf32>,
    %add3A_388 = arith.constant 1 : i32
    %add3A_389 = vector.broadcast %add3A_388 : i32 to vector<16xi32>
    %add3A_390 = arith.addi %add3A_386, %add3A_389 : vector<16xi32>
    %gather3A_391 = tpu.vector_load_idx %arg8[%get3A_383] : memref<16384xf32, #tpu.memory_space<vmem>>[vector<16xi32>], vector<16xf32>,
    tpu.vector_store_idx %arg11[%add3A_390], %gather3A_391 : memref<3072xf32, #tpu.memory_space<vmem>>[vector<16xi32>], vector<16xf32>,
    %add3A_392 = arith.constant 2 : i32
    %add3A_393 = vector.broadcast %add3A_392 : i32 to vector<16xi32>
    %add3A_394 = arith.addi %add3A_386, %add3A_393 : vector<16xi32>
    %gather3A_395 = tpu.vector_load_idx %arg9[%get3A_383] : memref<16384xf32, #tpu.memory_space<vmem>>[vector<16xi32>], vector<16xf32>,
    tpu.vector_store_idx %arg11[%add3A_394], %gather3A_395 : memref<3072xf32, #tpu.memory_space<vmem>>[vector<16xi32>], vector<16xf32>,
    %get3A_396 = arith.constant 448 : index
    %get3A_397 = tpu.vector_load %arg10[%get3A_396] {strides = array<i32>} : memref<1024xi32, #tpu.memory_space<vmem>>, vector<16xi32>,
    %add3A_398 = arith.constant 1344 : i32
    %add3A_399 = vector.broadcast %add3A_398 : i32 to vector<16xi32>
    %add3A_400 = arith.addi %mul3A_5, %add3A_399 : vector<16xi32>
    %gather3A_401 = tpu.vector_load_idx %arg7[%get3A_397] : memref<16384xf32, #tpu.memory_space<vmem>>[vector<16xi32>], vector<16xf32>,
    tpu.vector_store_idx %arg11[%add3A_400], %gather3A_401 : memref<3072xf32, #tpu.memory_space<vmem>>[vector<16xi32>], vector<16xf32>,
    %add3A_402 = arith.constant 1 : i32
    %add3A_403 = vector.broadcast %add3A_402 : i32 to vector<16xi32>
    %add3A_404 = arith.addi %add3A_400, %add3A_403 : vector<16xi32>
    %gather3A_405 = tpu.vector_load_idx %arg8[%get3A_397] : memref<16384xf32, #tpu.memory_space<vmem>>[vector<16xi32>], vector<16xf32>,
    tpu.vector_store_idx %arg11[%add3A_404], %gather3A_405 : memref<3072xf32, #tpu.memory_space<vmem>>[vector<16xi32>], vector<16xf32>,
    %add3A_406 = arith.constant 2 : i32
    %add3A_407 = vector.broadcast %add3A_406 : i32 to vector<16xi32>
    %add3A_408 = arith.addi %add3A_400, %add3A_407 : vector<16xi32>
    %gather3A_409 = tpu.vector_load_idx %arg9[%get3A_397] : memref<16384xf32, #tpu.memory_space<vmem>>[vector<16xi32>], vector<16xf32>,
    tpu.vector_store_idx %arg11[%add3A_408], %gather3A_409 : memref<3072xf32, #tpu.memory_space<vmem>>[vector<16xi32>], vector<16xf32>,
    %get3A_410 = arith.constant 464 : index
    %get3A_411 = tpu.vector_load %arg10[%get3A_410] {strides = array<i32>} : memref<1024xi32, #tpu.memory_space<vmem>>, vector<16xi32>,
    %add3A_412 = arith.constant 1392 : i32
    %add3A_413 = vector.broadcast %add3A_412 : i32 to vector<16xi32>
    %add3A_414 = arith.addi %mul3A_5, %add3A_413 : vector<16xi32>
    %gather3A_415 = tpu.vector_load_idx %arg7[%get3A_411] : memref<16384xf32, #tpu.memory_space<vmem>>[vector<16xi32>], vector<16xf32>,
    tpu.vector_store_idx %arg11[%add3A_414], %gather3A_415 : memref<3072xf32, #tpu.memory_space<vmem>>[vector<16xi32>], vector<16xf32>,
    %add3A_416 = arith.constant 1 : i32
    %add3A_417 = vector.broadcast %add3A_416 : i32 to vector<16xi32>
    %add3A_418 = arith.addi %add3A_414, %add3A_417 : vector<16xi32>
    %gather3A_419 = tpu.vector_load_idx %arg8[%get3A_411] : memref<16384xf32, #tpu.memory_space<vmem>>[vector<16xi32>], vector<16xf32>,
    tpu.vector_store_idx %arg11[%add3A_418], %gather3A_419 : memref<3072xf32, #tpu.memory_space<vmem>>[vector<16xi32>], vector<16xf32>,
    %add3A_420 = arith.constant 2 : i32
    %add3A_421 = vector.broadcast %add3A_420 : i32 to vector<16xi32>
    %add3A_422 = arith.addi %add3A_414, %add3A_421 : vector<16xi32>
    %gather3A_423 = tpu.vector_load_idx %arg9[%get3A_411] : memref<16384xf32, #tpu.memory_space<vmem>>[vector<16xi32>], vector<16xf32>,
    tpu.vector_store_idx %arg11[%add3A_422], %gather3A_423 : memref<3072xf32, #tpu.memory_space<vmem>>[vector<16xi32>], vector<16xf32>,
    %get3A_424 = arith.constant 480 : index
    %get3A_425 = tpu.vector_load %arg10[%get3A_424] {strides = array<i32>} : memref<1024xi32, #tpu.memory_space<vmem>>, vector<16xi32>,
    %add3A_426 = arith.constant 1440 : i32
    %add3A_427 = vector.broadcast %add3A_426 : i32 to vector<16xi32>
    %add3A_428 = arith.addi %mul3A_5, %add3A_427 : vector<16xi32>
    %gather3A_429 = tpu.vector_load_idx %arg7[%get3A_425] : memref<16384xf32, #tpu.memory_space<vmem>>[vector<16xi32>], vector<16xf32>,
    tpu.vector_store_idx %arg11[%add3A_428], %gather3A_429 : memref<3072xf32, #tpu.memory_space<vmem>>[vector<16xi32>], vector<16xf32>,
    %add3A_430 = arith.constant 1 : i32
    %add3A_431 = vector.broadcast %add3A_430 : i32 to vector<16xi32>
    %add3A_432 = arith.addi %add3A_428, %add3A_431 : vector<16xi32>
    %gather3A_433 = tpu.vector_load_idx %arg8[%get3A_425] : memref<16384xf32, #tpu.memory_space<vmem>>[vector<16xi32>], vector<16xf32>,
    tpu.vector_store_idx %arg11[%add3A_432], %gather3A_433 : memref<3072xf32, #tpu.memory_space<vmem>>[vector<16xi32>], vector<16xf32>,
    %add3A_434 = arith.constant 2 : i32
    %add3A_435 = vector.broadcast %add3A_434 : i32 to vector<16xi32>
    %add3A_436 = arith.addi %add3A_428, %add3A_435 : vector<16xi32>
    %gather3A_437 = tpu.vector_load_idx %arg9[%get3A_425] : memref<16384xf32, #tpu.memory_space<vmem>>[vector<16xi32>], vector<16xf32>,
    tpu.vector_store_idx %arg11[%add3A_436], %gather3A_437 : memref<3072xf32, #tpu.memory_space<vmem>>[vector<16xi32>], vector<16xf32>,
    %get3A_438 = arith.constant 496 : index
    %get3A_439 = tpu.vector_load %arg10[%get3A_438] {strides = array<i32>} : memref<1024xi32, #tpu.memory_space<vmem>>, vector<16xi32>,
    %add3A_440 = arith.constant 1488 : i32
    %add3A_441 = vector.broadcast %add3A_440 : i32 to vector<16xi32>
    %add3A_442 = arith.addi %mul3A_5, %add3A_441 : vector<16xi32>
    %gather3A_443 = tpu.vector_load_idx %arg7[%get3A_439] : memref<16384xf32, #tpu.memory_space<vmem>>[vector<16xi32>], vector<16xf32>,
    tpu.vector_store_idx %arg11[%add3A_442], %gather3A_443 : memref<3072xf32, #tpu.memory_space<vmem>>[vector<16xi32>], vector<16xf32>,
    %add3A_444 = arith.constant 1 : i32
    %add3A_445 = vector.broadcast %add3A_444 : i32 to vector<16xi32>
    %add3A_446 = arith.addi %add3A_442, %add3A_445 : vector<16xi32>
    %gather3A_447 = tpu.vector_load_idx %arg8[%get3A_439] : memref<16384xf32, #tpu.memory_space<vmem>>[vector<16xi32>], vector<16xf32>,
    tpu.vector_store_idx %arg11[%add3A_446], %gather3A_447 : memref<3072xf32, #tpu.memory_space<vmem>>[vector<16xi32>], vector<16xf32>,
    %add3A_448 = arith.constant 2 : i32
    %add3A_449 = vector.broadcast %add3A_448 : i32 to vector<16xi32>
    %add3A_450 = arith.addi %add3A_442, %add3A_449 : vector<16xi32>
    %gather3A_451 = tpu.vector_load_idx %arg9[%get3A_439] : memref<16384xf32, #tpu.memory_space<vmem>>[vector<16xi32>], vector<16xf32>,
    tpu.vector_store_idx %arg11[%add3A_450], %gather3A_451 : memref<3072xf32, #tpu.memory_space<vmem>>[vector<16xi32>], vector<16xf32>,
    %get3A_452 = arith.constant 512 : index
    %get3A_453 = tpu.vector_load %arg10[%get3A_452] {strides = array<i32>} : memref<1024xi32, #tpu.memory_space<vmem>>, vector<16xi32>,
    %add3A_454 = arith.constant 1536 : i32
    %add3A_455 = vector.broadcast %add3A_454 : i32 to vector<16xi32>
    %add3A_456 = arith.addi %mul3A_5, %add3A_455 : vector<16xi32>
    %gather3A_457 = tpu.vector_load_idx %arg7[%get3A_453] : memref<16384xf32, #tpu.memory_space<vmem>>[vector<16xi32>], vector<16xf32>,
    tpu.vector_store_idx %arg11[%add3A_456], %gather3A_457 : memref<3072xf32, #tpu.memory_space<vmem>>[vector<16xi32>], vector<16xf32>,
    %add3A_458 = arith.constant 1 : i32
    %add3A_459 = vector.broadcast %add3A_458 : i32 to vector<16xi32>
    %add3A_460 = arith.addi %add3A_456, %add3A_459 : vector<16xi32>
    %gather3A_461 = tpu.vector_load_idx %arg8[%get3A_453] : memref<16384xf32, #tpu.memory_space<vmem>>[vector<16xi32>], vector<16xf32>,
    tpu.vector_store_idx %arg11[%add3A_460], %gather3A_461 : memref<3072xf32, #tpu.memory_space<vmem>>[vector<16xi32>], vector<16xf32>,
    %add3A_462 = arith.constant 2 : i32
    %add3A_463 = vector.broadcast %add3A_462 : i32 to vector<16xi32>
    %add3A_464 = arith.addi %add3A_456, %add3A_463 : vector<16xi32>
    %gather3A_465 = tpu.vector_load_idx %arg9[%get3A_453] : memref<16384xf32, #tpu.memory_space<vmem>>[vector<16xi32>], vector<16xf32>,
    tpu.vector_store_idx %arg11[%add3A_464], %gather3A_465 : memref<3072xf32, #tpu.memory_space<vmem>>[vector<16xi32>], vector<16xf32>,
    %get3A_466 = arith.constant 528 : index
    %get3A_467 = tpu.vector_load %arg10[%get3A_466] {strides = array<i32>} : memref<1024xi32, #tpu.memory_space<vmem>>, vector<16xi32>,
    %add3A_468 = arith.constant 1584 : i32
    %add3A_469 = vector.broadcast %add3A_468 : i32 to vector<16xi32>
    %add3A_470 = arith.addi %mul3A_5, %add3A_469 : vector<16xi32>
    %gather3A_471 = tpu.vector_load_idx %arg7[%get3A_467] : memref<16384xf32, #tpu.memory_space<vmem>>[vector<16xi32>], vector<16xf32>,
    tpu.vector_store_idx %arg11[%add3A_470], %gather3A_471 : memref<3072xf32, #tpu.memory_space<vmem>>[vector<16xi32>], vector<16xf32>,
    %add3A_472 = arith.constant 1 : i32
    %add3A_473 = vector.broadcast %add3A_472 : i32 to vector<16xi32>
    %add3A_474 = arith.addi %add3A_470, %add3A_473 : vector<16xi32>
    %gather3A_475 = tpu.vector_load_idx %arg8[%get3A_467] : memref<16384xf32, #tpu.memory_space<vmem>>[vector<16xi32>], vector<16xf32>,
    tpu.vector_store_idx %arg11[%add3A_474], %gather3A_475 : memref<3072xf32, #tpu.memory_space<vmem>>[vector<16xi32>], vector<16xf32>,
    %add3A_476 = arith.constant 2 : i32
    %add3A_477 = vector.broadcast %add3A_476 : i32 to vector<16xi32>
    %add3A_478 = arith.addi %add3A_470, %add3A_477 : vector<16xi32>
    %gather3A_479 = tpu.vector_load_idx %arg9[%get3A_467] : memref<16384xf32, #tpu.memory_space<vmem>>[vector<16xi32>], vector<16xf32>,
    tpu.vector_store_idx %arg11[%add3A_478], %gather3A_479 : memref<3072xf32, #tpu.memory_space<vmem>>[vector<16xi32>], vector<16xf32>,
    %get3A_480 = arith.constant 544 : index
    %get3A_481 = tpu.vector_load %arg10[%get3A_480] {strides = array<i32>} : memref<1024xi32, #tpu.memory_space<vmem>>, vector<16xi32>,
    %add3A_482 = arith.constant 1632 : i32
    %add3A_483 = vector.broadcast %add3A_482 : i32 to vector<16xi32>
    %add3A_484 = arith.addi %mul3A_5, %add3A_483 : vector<16xi32>
    %gather3A_485 = tpu.vector_load_idx %arg7[%get3A_481] : memref<16384xf32, #tpu.memory_space<vmem>>[vector<16xi32>], vector<16xf32>,
    tpu.vector_store_idx %arg11[%add3A_484], %gather3A_485 : memref<3072xf32, #tpu.memory_space<vmem>>[vector<16xi32>], vector<16xf32>,
    %add3A_486 = arith.constant 1 : i32
    %add3A_487 = vector.broadcast %add3A_486 : i32 to vector<16xi32>
    %add3A_488 = arith.addi %add3A_484, %add3A_487 : vector<16xi32>
    %gather3A_489 = tpu.vector_load_idx %arg8[%get3A_481] : memref<16384xf32, #tpu.memory_space<vmem>>[vector<16xi32>], vector<16xf32>,
    tpu.vector_store_idx %arg11[%add3A_488], %gather3A_489 : memref<3072xf32, #tpu.memory_space<vmem>>[vector<16xi32>], vector<16xf32>,
    %add3A_490 = arith.constant 2 : i32
    %add3A_491 = vector.broadcast %add3A_490 : i32 to vector<16xi32>
    %add3A_492 = arith.addi %add3A_484, %add3A_491 : vector<16xi32>
    %gather3A_493 = tpu.vector_load_idx %arg9[%get3A_481] : memref<16384xf32, #tpu.memory_space<vmem>>[vector<16xi32>], vector<16xf32>,
    tpu.vector_store_idx %arg11[%add3A_492], %gather3A_493 : memref<3072xf32, #tpu.memory_space<vmem>>[vector<16xi32>], vector<16xf32>,
    %get3A_494 = arith.constant 560 : index
    %get3A_495 = tpu.vector_load %arg10[%get3A_494] {strides = array<i32>} : memref<1024xi32, #tpu.memory_space<vmem>>, vector<16xi32>,
    %add3A_496 = arith.constant 1680 : i32
    %add3A_497 = vector.broadcast %add3A_496 : i32 to vector<16xi32>
    %add3A_498 = arith.addi %mul3A_5, %add3A_497 : vector<16xi32>
    %gather3A_499 = tpu.vector_load_idx %arg7[%get3A_495] : memref<16384xf32, #tpu.memory_space<vmem>>[vector<16xi32>], vector<16xf32>,
    tpu.vector_store_idx %arg11[%add3A_498], %gather3A_499 : memref<3072xf32, #tpu.memory_space<vmem>>[vector<16xi32>], vector<16xf32>,
    %add3A_500 = arith.constant 1 : i32
    %add3A_501 = vector.broadcast %add3A_500 : i32 to vector<16xi32>
    %add3A_502 = arith.addi %add3A_498, %add3A_501 : vector<16xi32>
    %gather3A_503 = tpu.vector_load_idx %arg8[%get3A_495] : memref<16384xf32, #tpu.memory_space<vmem>>[vector<16xi32>], vector<16xf32>,
    tpu.vector_store_idx %arg11[%add3A_502], %gather3A_503 : memref<3072xf32, #tpu.memory_space<vmem>>[vector<16xi32>], vector<16xf32>,
    %add3A_504 = arith.constant 2 : i32
    %add3A_505 = vector.broadcast %add3A_504 : i32 to vector<16xi32>
    %add3A_506 = arith.addi %add3A_498, %add3A_505 : vector<16xi32>
    %gather3A_507 = tpu.vector_load_idx %arg9[%get3A_495] : memref<16384xf32, #tpu.memory_space<vmem>>[vector<16xi32>], vector<16xf32>,
    tpu.vector_store_idx %arg11[%add3A_506], %gather3A_507 : memref<3072xf32, #tpu.memory_space<vmem>>[vector<16xi32>], vector<16xf32>,
    %get3A_508 = arith.constant 576 : index
    %get3A_509 = tpu.vector_load %arg10[%get3A_508] {strides = array<i32>} : memref<1024xi32, #tpu.memory_space<vmem>>, vector<16xi32>,
    %add3A_510 = arith.constant 1728 : i32
    %add3A_511 = vector.broadcast %add3A_510 : i32 to vector<16xi32>
    %add3A_512 = arith.addi %mul3A_5, %add3A_511 : vector<16xi32>
    %gather3A_513 = tpu.vector_load_idx %arg7[%get3A_509] : memref<16384xf32, #tpu.memory_space<vmem>>[vector<16xi32>], vector<16xf32>,
    tpu.vector_store_idx %arg11[%add3A_512], %gather3A_513 : memref<3072xf32, #tpu.memory_space<vmem>>[vector<16xi32>], vector<16xf32>,
    %add3A_514 = arith.constant 1 : i32
    %add3A_515 = vector.broadcast %add3A_514 : i32 to vector<16xi32>
    %add3A_516 = arith.addi %add3A_512, %add3A_515 : vector<16xi32>
    %gather3A_517 = tpu.vector_load_idx %arg8[%get3A_509] : memref<16384xf32, #tpu.memory_space<vmem>>[vector<16xi32>], vector<16xf32>,
    tpu.vector_store_idx %arg11[%add3A_516], %gather3A_517 : memref<3072xf32, #tpu.memory_space<vmem>>[vector<16xi32>], vector<16xf32>,
    %add3A_518 = arith.constant 2 : i32
    %add3A_519 = vector.broadcast %add3A_518 : i32 to vector<16xi32>
    %add3A_520 = arith.addi %add3A_512, %add3A_519 : vector<16xi32>
    %gather3A_521 = tpu.vector_load_idx %arg9[%get3A_509] : memref<16384xf32, #tpu.memory_space<vmem>>[vector<16xi32>], vector<16xf32>,
    tpu.vector_store_idx %arg11[%add3A_520], %gather3A_521 : memref<3072xf32, #tpu.memory_space<vmem>>[vector<16xi32>], vector<16xf32>,
    %get3A_522 = arith.constant 592 : index
    %get3A_523 = tpu.vector_load %arg10[%get3A_522] {strides = array<i32>} : memref<1024xi32, #tpu.memory_space<vmem>>, vector<16xi32>,
    %add3A_524 = arith.constant 1776 : i32
    %add3A_525 = vector.broadcast %add3A_524 : i32 to vector<16xi32>
    %add3A_526 = arith.addi %mul3A_5, %add3A_525 : vector<16xi32>
    %gather3A_527 = tpu.vector_load_idx %arg7[%get3A_523] : memref<16384xf32, #tpu.memory_space<vmem>>[vector<16xi32>], vector<16xf32>,
    tpu.vector_store_idx %arg11[%add3A_526], %gather3A_527 : memref<3072xf32, #tpu.memory_space<vmem>>[vector<16xi32>], vector<16xf32>,
    %add3A_528 = arith.constant 1 : i32
    %add3A_529 = vector.broadcast %add3A_528 : i32 to vector<16xi32>
    %add3A_530 = arith.addi %add3A_526, %add3A_529 : vector<16xi32>
    %gather3A_531 = tpu.vector_load_idx %arg8[%get3A_523] : memref<16384xf32, #tpu.memory_space<vmem>>[vector<16xi32>], vector<16xf32>,
    tpu.vector_store_idx %arg11[%add3A_530], %gather3A_531 : memref<3072xf32, #tpu.memory_space<vmem>>[vector<16xi32>], vector<16xf32>,
    %add3A_532 = arith.constant 2 : i32
    %add3A_533 = vector.broadcast %add3A_532 : i32 to vector<16xi32>
    %add3A_534 = arith.addi %add3A_526, %add3A_533 : vector<16xi32>
    %gather3A_535 = tpu.vector_load_idx %arg9[%get3A_523] : memref<16384xf32, #tpu.memory_space<vmem>>[vector<16xi32>], vector<16xf32>,
    tpu.vector_store_idx %arg11[%add3A_534], %gather3A_535 : memref<3072xf32, #tpu.memory_space<vmem>>[vector<16xi32>], vector<16xf32>,
    %get3A_536 = arith.constant 608 : index
    %get3A_537 = tpu.vector_load %arg10[%get3A_536] {strides = array<i32>} : memref<1024xi32, #tpu.memory_space<vmem>>, vector<16xi32>,
    %add3A_538 = arith.constant 1824 : i32
    %add3A_539 = vector.broadcast %add3A_538 : i32 to vector<16xi32>
    %add3A_540 = arith.addi %mul3A_5, %add3A_539 : vector<16xi32>
    %gather3A_541 = tpu.vector_load_idx %arg7[%get3A_537] : memref<16384xf32, #tpu.memory_space<vmem>>[vector<16xi32>], vector<16xf32>,
    tpu.vector_store_idx %arg11[%add3A_540], %gather3A_541 : memref<3072xf32, #tpu.memory_space<vmem>>[vector<16xi32>], vector<16xf32>,
    %add3A_542 = arith.constant 1 : i32
    %add3A_543 = vector.broadcast %add3A_542 : i32 to vector<16xi32>
    %add3A_544 = arith.addi %add3A_540, %add3A_543 : vector<16xi32>
    %gather3A_545 = tpu.vector_load_idx %arg8[%get3A_537] : memref<16384xf32, #tpu.memory_space<vmem>>[vector<16xi32>], vector<16xf32>,
    tpu.vector_store_idx %arg11[%add3A_544], %gather3A_545 : memref<3072xf32, #tpu.memory_space<vmem>>[vector<16xi32>], vector<16xf32>,
    %add3A_546 = arith.constant 2 : i32
    %add3A_547 = vector.broadcast %add3A_546 : i32 to vector<16xi32>
    %add3A_548 = arith.addi %add3A_540, %add3A_547 : vector<16xi32>
    %gather3A_549 = tpu.vector_load_idx %arg9[%get3A_537] : memref<16384xf32, #tpu.memory_space<vmem>>[vector<16xi32>], vector<16xf32>,
    tpu.vector_store_idx %arg11[%add3A_548], %gather3A_549 : memref<3072xf32, #tpu.memory_space<vmem>>[vector<16xi32>], vector<16xf32>,
    %get3A_550 = arith.constant 624 : index
    %get3A_551 = tpu.vector_load %arg10[%get3A_550] {strides = array<i32>} : memref<1024xi32, #tpu.memory_space<vmem>>, vector<16xi32>,
    %add3A_552 = arith.constant 1872 : i32
    %add3A_553 = vector.broadcast %add3A_552 : i32 to vector<16xi32>
    %add3A_554 = arith.addi %mul3A_5, %add3A_553 : vector<16xi32>
    %gather3A_555 = tpu.vector_load_idx %arg7[%get3A_551] : memref<16384xf32, #tpu.memory_space<vmem>>[vector<16xi32>], vector<16xf32>,
    tpu.vector_store_idx %arg11[%add3A_554], %gather3A_555 : memref<3072xf32, #tpu.memory_space<vmem>>[vector<16xi32>], vector<16xf32>,
    %add3A_556 = arith.constant 1 : i32
    %add3A_557 = vector.broadcast %add3A_556 : i32 to vector<16xi32>
    %add3A_558 = arith.addi %add3A_554, %add3A_557 : vector<16xi32>
    %gather3A_559 = tpu.vector_load_idx %arg8[%get3A_551] : memref<16384xf32, #tpu.memory_space<vmem>>[vector<16xi32>], vector<16xf32>,
    tpu.vector_store_idx %arg11[%add3A_558], %gather3A_559 : memref<3072xf32, #tpu.memory_space<vmem>>[vector<16xi32>], vector<16xf32>,
    %add3A_560 = arith.constant 2 : i32
    %add3A_561 = vector.broadcast %add3A_560 : i32 to vector<16xi32>
    %add3A_562 = arith.addi %add3A_554, %add3A_561 : vector<16xi32>
    %gather3A_563 = tpu.vector_load_idx %arg9[%get3A_551] : memref<16384xf32, #tpu.memory_space<vmem>>[vector<16xi32>], vector<16xf32>,
    tpu.vector_store_idx %arg11[%add3A_562], %gather3A_563 : memref<3072xf32, #tpu.memory_space<vmem>>[vector<16xi32>], vector<16xf32>,
    %get3A_564 = arith.constant 640 : index
    %get3A_565 = tpu.vector_load %arg10[%get3A_564] {strides = array<i32>} : memref<1024xi32, #tpu.memory_space<vmem>>, vector<16xi32>,
    %add3A_566 = arith.constant 1920 : i32
    %add3A_567 = vector.broadcast %add3A_566 : i32 to vector<16xi32>
    %add3A_568 = arith.addi %mul3A_5, %add3A_567 : vector<16xi32>
    %gather3A_569 = tpu.vector_load_idx %arg7[%get3A_565] : memref<16384xf32, #tpu.memory_space<vmem>>[vector<16xi32>], vector<16xf32>,
    tpu.vector_store_idx %arg11[%add3A_568], %gather3A_569 : memref<3072xf32, #tpu.memory_space<vmem>>[vector<16xi32>], vector<16xf32>,
    %add3A_570 = arith.constant 1 : i32
    %add3A_571 = vector.broadcast %add3A_570 : i32 to vector<16xi32>
    %add3A_572 = arith.addi %add3A_568, %add3A_571 : vector<16xi32>
    %gather3A_573 = tpu.vector_load_idx %arg8[%get3A_565] : memref<16384xf32, #tpu.memory_space<vmem>>[vector<16xi32>], vector<16xf32>,
    tpu.vector_store_idx %arg11[%add3A_572], %gather3A_573 : memref<3072xf32, #tpu.memory_space<vmem>>[vector<16xi32>], vector<16xf32>,
    %add3A_574 = arith.constant 2 : i32
    %add3A_575 = vector.broadcast %add3A_574 : i32 to vector<16xi32>
    %add3A_576 = arith.addi %add3A_568, %add3A_575 : vector<16xi32>
    %gather3A_577 = tpu.vector_load_idx %arg9[%get3A_565] : memref<16384xf32, #tpu.memory_space<vmem>>[vector<16xi32>], vector<16xf32>,
    tpu.vector_store_idx %arg11[%add3A_576], %gather3A_577 : memref<3072xf32, #tpu.memory_space<vmem>>[vector<16xi32>], vector<16xf32>,
    %get3A_578 = arith.constant 656 : index
    %get3A_579 = tpu.vector_load %arg10[%get3A_578] {strides = array<i32>} : memref<1024xi32, #tpu.memory_space<vmem>>, vector<16xi32>,
    %add3A_580 = arith.constant 1968 : i32
    %add3A_581 = vector.broadcast %add3A_580 : i32 to vector<16xi32>
    %add3A_582 = arith.addi %mul3A_5, %add3A_581 : vector<16xi32>
    %gather3A_583 = tpu.vector_load_idx %arg7[%get3A_579] : memref<16384xf32, #tpu.memory_space<vmem>>[vector<16xi32>], vector<16xf32>,
    tpu.vector_store_idx %arg11[%add3A_582], %gather3A_583 : memref<3072xf32, #tpu.memory_space<vmem>>[vector<16xi32>], vector<16xf32>,
    %add3A_584 = arith.constant 1 : i32
    %add3A_585 = vector.broadcast %add3A_584 : i32 to vector<16xi32>
    %add3A_586 = arith.addi %add3A_582, %add3A_585 : vector<16xi32>
    %gather3A_587 = tpu.vector_load_idx %arg8[%get3A_579] : memref<16384xf32, #tpu.memory_space<vmem>>[vector<16xi32>], vector<16xf32>,
    tpu.vector_store_idx %arg11[%add3A_586], %gather3A_587 : memref<3072xf32, #tpu.memory_space<vmem>>[vector<16xi32>], vector<16xf32>,
    %add3A_588 = arith.constant 2 : i32
    %add3A_589 = vector.broadcast %add3A_588 : i32 to vector<16xi32>
    %add3A_590 = arith.addi %add3A_582, %add3A_589 : vector<16xi32>
    %gather3A_591 = tpu.vector_load_idx %arg9[%get3A_579] : memref<16384xf32, #tpu.memory_space<vmem>>[vector<16xi32>], vector<16xf32>,
    tpu.vector_store_idx %arg11[%add3A_590], %gather3A_591 : memref<3072xf32, #tpu.memory_space<vmem>>[vector<16xi32>], vector<16xf32>,
    %get3A_592 = arith.constant 672 : index
    %get3A_593 = tpu.vector_load %arg10[%get3A_592] {strides = array<i32>} : memref<1024xi32, #tpu.memory_space<vmem>>, vector<16xi32>,
    %add3A_594 = arith.constant 2016 : i32
    %add3A_595 = vector.broadcast %add3A_594 : i32 to vector<16xi32>
    %add3A_596 = arith.addi %mul3A_5, %add3A_595 : vector<16xi32>
    %gather3A_597 = tpu.vector_load_idx %arg7[%get3A_593] : memref<16384xf32, #tpu.memory_space<vmem>>[vector<16xi32>], vector<16xf32>,
    tpu.vector_store_idx %arg11[%add3A_596], %gather3A_597 : memref<3072xf32, #tpu.memory_space<vmem>>[vector<16xi32>], vector<16xf32>,
    %add3A_598 = arith.constant 1 : i32
    %add3A_599 = vector.broadcast %add3A_598 : i32 to vector<16xi32>
    %add3A_600 = arith.addi %add3A_596, %add3A_599 : vector<16xi32>
    %gather3A_601 = tpu.vector_load_idx %arg8[%get3A_593] : memref<16384xf32, #tpu.memory_space<vmem>>[vector<16xi32>], vector<16xf32>,
    tpu.vector_store_idx %arg11[%add3A_600], %gather3A_601 : memref<3072xf32, #tpu.memory_space<vmem>>[vector<16xi32>], vector<16xf32>,
    %add3A_602 = arith.constant 2 : i32
    %add3A_603 = vector.broadcast %add3A_602 : i32 to vector<16xi32>
    %add3A_604 = arith.addi %add3A_596, %add3A_603 : vector<16xi32>
    %gather3A_605 = tpu.vector_load_idx %arg9[%get3A_593] : memref<16384xf32, #tpu.memory_space<vmem>>[vector<16xi32>], vector<16xf32>,
    tpu.vector_store_idx %arg11[%add3A_604], %gather3A_605 : memref<3072xf32, #tpu.memory_space<vmem>>[vector<16xi32>], vector<16xf32>,
    %get3A_606 = arith.constant 688 : index
    %get3A_607 = tpu.vector_load %arg10[%get3A_606] {strides = array<i32>} : memref<1024xi32, #tpu.memory_space<vmem>>, vector<16xi32>,
    %add3A_608 = arith.constant 2064 : i32
    %add3A_609 = vector.broadcast %add3A_608 : i32 to vector<16xi32>
    %add3A_610 = arith.addi %mul3A_5, %add3A_609 : vector<16xi32>
    %gather3A_611 = tpu.vector_load_idx %arg7[%get3A_607] : memref<16384xf32, #tpu.memory_space<vmem>>[vector<16xi32>], vector<16xf32>,
    tpu.vector_store_idx %arg11[%add3A_610], %gather3A_611 : memref<3072xf32, #tpu.memory_space<vmem>>[vector<16xi32>], vector<16xf32>,
    %add3A_612 = arith.constant 1 : i32
    %add3A_613 = vector.broadcast %add3A_612 : i32 to vector<16xi32>
    %add3A_614 = arith.addi %add3A_610, %add3A_613 : vector<16xi32>
    %gather3A_615 = tpu.vector_load_idx %arg8[%get3A_607] : memref<16384xf32, #tpu.memory_space<vmem>>[vector<16xi32>], vector<16xf32>,
    tpu.vector_store_idx %arg11[%add3A_614], %gather3A_615 : memref<3072xf32, #tpu.memory_space<vmem>>[vector<16xi32>], vector<16xf32>,
    %add3A_616 = arith.constant 2 : i32
    %add3A_617 = vector.broadcast %add3A_616 : i32 to vector<16xi32>
    %add3A_618 = arith.addi %add3A_610, %add3A_617 : vector<16xi32>
    %gather3A_619 = tpu.vector_load_idx %arg9[%get3A_607] : memref<16384xf32, #tpu.memory_space<vmem>>[vector<16xi32>], vector<16xf32>,
    tpu.vector_store_idx %arg11[%add3A_618], %gather3A_619 : memref<3072xf32, #tpu.memory_space<vmem>>[vector<16xi32>], vector<16xf32>,
    %get3A_620 = arith.constant 704 : index
    %get3A_621 = tpu.vector_load %arg10[%get3A_620] {strides = array<i32>} : memref<1024xi32, #tpu.memory_space<vmem>>, vector<16xi32>,
    %add3A_622 = arith.constant 2112 : i32
    %add3A_623 = vector.broadcast %add3A_622 : i32 to vector<16xi32>
    %add3A_624 = arith.addi %mul3A_5, %add3A_623 : vector<16xi32>
    %gather3A_625 = tpu.vector_load_idx %arg7[%get3A_621] : memref<16384xf32, #tpu.memory_space<vmem>>[vector<16xi32>], vector<16xf32>,
    tpu.vector_store_idx %arg11[%add3A_624], %gather3A_625 : memref<3072xf32, #tpu.memory_space<vmem>>[vector<16xi32>], vector<16xf32>,
    %add3A_626 = arith.constant 1 : i32
    %add3A_627 = vector.broadcast %add3A_626 : i32 to vector<16xi32>
    %add3A_628 = arith.addi %add3A_624, %add3A_627 : vector<16xi32>
    %gather3A_629 = tpu.vector_load_idx %arg8[%get3A_621] : memref<16384xf32, #tpu.memory_space<vmem>>[vector<16xi32>], vector<16xf32>,
    tpu.vector_store_idx %arg11[%add3A_628], %gather3A_629 : memref<3072xf32, #tpu.memory_space<vmem>>[vector<16xi32>], vector<16xf32>,
    %add3A_630 = arith.constant 2 : i32
    %add3A_631 = vector.broadcast %add3A_630 : i32 to vector<16xi32>
    %add3A_632 = arith.addi %add3A_624, %add3A_631 : vector<16xi32>
    %gather3A_633 = tpu.vector_load_idx %arg9[%get3A_621] : memref<16384xf32, #tpu.memory_space<vmem>>[vector<16xi32>], vector<16xf32>,
    tpu.vector_store_idx %arg11[%add3A_632], %gather3A_633 : memref<3072xf32, #tpu.memory_space<vmem>>[vector<16xi32>], vector<16xf32>,
    %get3A_634 = arith.constant 720 : index
    %get3A_635 = tpu.vector_load %arg10[%get3A_634] {strides = array<i32>} : memref<1024xi32, #tpu.memory_space<vmem>>, vector<16xi32>,
    %add3A_636 = arith.constant 2160 : i32
    %add3A_637 = vector.broadcast %add3A_636 : i32 to vector<16xi32>
    %add3A_638 = arith.addi %mul3A_5, %add3A_637 : vector<16xi32>
    %gather3A_639 = tpu.vector_load_idx %arg7[%get3A_635] : memref<16384xf32, #tpu.memory_space<vmem>>[vector<16xi32>], vector<16xf32>,
    tpu.vector_store_idx %arg11[%add3A_638], %gather3A_639 : memref<3072xf32, #tpu.memory_space<vmem>>[vector<16xi32>], vector<16xf32>,
    %add3A_640 = arith.constant 1 : i32
    %add3A_641 = vector.broadcast %add3A_640 : i32 to vector<16xi32>
    %add3A_642 = arith.addi %add3A_638, %add3A_641 : vector<16xi32>
    %gather3A_643 = tpu.vector_load_idx %arg8[%get3A_635] : memref<16384xf32, #tpu.memory_space<vmem>>[vector<16xi32>], vector<16xf32>,
    tpu.vector_store_idx %arg11[%add3A_642], %gather3A_643 : memref<3072xf32, #tpu.memory_space<vmem>>[vector<16xi32>], vector<16xf32>,
    %add3A_644 = arith.constant 2 : i32
    %add3A_645 = vector.broadcast %add3A_644 : i32 to vector<16xi32>
    %add3A_646 = arith.addi %add3A_638, %add3A_645 : vector<16xi32>
    %gather3A_647 = tpu.vector_load_idx %arg9[%get3A_635] : memref<16384xf32, #tpu.memory_space<vmem>>[vector<16xi32>], vector<16xf32>,
    tpu.vector_store_idx %arg11[%add3A_646], %gather3A_647 : memref<3072xf32, #tpu.memory_space<vmem>>[vector<16xi32>], vector<16xf32>,
    %get3A_648 = arith.constant 736 : index
    %get3A_649 = tpu.vector_load %arg10[%get3A_648] {strides = array<i32>} : memref<1024xi32, #tpu.memory_space<vmem>>, vector<16xi32>,
    %add3A_650 = arith.constant 2208 : i32
    %add3A_651 = vector.broadcast %add3A_650 : i32 to vector<16xi32>
    %add3A_652 = arith.addi %mul3A_5, %add3A_651 : vector<16xi32>
    %gather3A_653 = tpu.vector_load_idx %arg7[%get3A_649] : memref<16384xf32, #tpu.memory_space<vmem>>[vector<16xi32>], vector<16xf32>,
    tpu.vector_store_idx %arg11[%add3A_652], %gather3A_653 : memref<3072xf32, #tpu.memory_space<vmem>>[vector<16xi32>], vector<16xf32>,
    %add3A_654 = arith.constant 1 : i32
    %add3A_655 = vector.broadcast %add3A_654 : i32 to vector<16xi32>
    %add3A_656 = arith.addi %add3A_652, %add3A_655 : vector<16xi32>
    %gather3A_657 = tpu.vector_load_idx %arg8[%get3A_649] : memref<16384xf32, #tpu.memory_space<vmem>>[vector<16xi32>], vector<16xf32>,
    tpu.vector_store_idx %arg11[%add3A_656], %gather3A_657 : memref<3072xf32, #tpu.memory_space<vmem>>[vector<16xi32>], vector<16xf32>,
    %add3A_658 = arith.constant 2 : i32
    %add3A_659 = vector.broadcast %add3A_658 : i32 to vector<16xi32>
    %add3A_660 = arith.addi %add3A_652, %add3A_659 : vector<16xi32>
    %gather3A_661 = tpu.vector_load_idx %arg9[%get3A_649] : memref<16384xf32, #tpu.memory_space<vmem>>[vector<16xi32>], vector<16xf32>,
    tpu.vector_store_idx %arg11[%add3A_660], %gather3A_661 : memref<3072xf32, #tpu.memory_space<vmem>>[vector<16xi32>], vector<16xf32>,
    %get3A_662 = arith.constant 752 : index
    %get3A_663 = tpu.vector_load %arg10[%get3A_662] {strides = array<i32>} : memref<1024xi32, #tpu.memory_space<vmem>>, vector<16xi32>,
    %add3A_664 = arith.constant 2256 : i32
    %add3A_665 = vector.broadcast %add3A_664 : i32 to vector<16xi32>
    %add3A_666 = arith.addi %mul3A_5, %add3A_665 : vector<16xi32>
    %gather3A_667 = tpu.vector_load_idx %arg7[%get3A_663] : memref<16384xf32, #tpu.memory_space<vmem>>[vector<16xi32>], vector<16xf32>,
    tpu.vector_store_idx %arg11[%add3A_666], %gather3A_667 : memref<3072xf32, #tpu.memory_space<vmem>>[vector<16xi32>], vector<16xf32>,
    %add3A_668 = arith.constant 1 : i32
    %add3A_669 = vector.broadcast %add3A_668 : i32 to vector<16xi32>
    %add3A_670 = arith.addi %add3A_666, %add3A_669 : vector<16xi32>
    %gather3A_671 = tpu.vector_load_idx %arg8[%get3A_663] : memref<16384xf32, #tpu.memory_space<vmem>>[vector<16xi32>], vector<16xf32>,
    tpu.vector_store_idx %arg11[%add3A_670], %gather3A_671 : memref<3072xf32, #tpu.memory_space<vmem>>[vector<16xi32>], vector<16xf32>,
    %add3A_672 = arith.constant 2 : i32
    %add3A_673 = vector.broadcast %add3A_672 : i32 to vector<16xi32>
    %add3A_674 = arith.addi %add3A_666, %add3A_673 : vector<16xi32>
    %gather3A_675 = tpu.vector_load_idx %arg9[%get3A_663] : memref<16384xf32, #tpu.memory_space<vmem>>[vector<16xi32>], vector<16xf32>,
    tpu.vector_store_idx %arg11[%add3A_674], %gather3A_675 : memref<3072xf32, #tpu.memory_space<vmem>>[vector<16xi32>], vector<16xf32>,
    %get3A_676 = arith.constant 768 : index
    %get3A_677 = tpu.vector_load %arg10[%get3A_676] {strides = array<i32>} : memref<1024xi32, #tpu.memory_space<vmem>>, vector<16xi32>,
    %add3A_678 = arith.constant 2304 : i32
    %add3A_679 = vector.broadcast %add3A_678 : i32 to vector<16xi32>
    %add3A_680 = arith.addi %mul3A_5, %add3A_679 : vector<16xi32>
    %gather3A_681 = tpu.vector_load_idx %arg7[%get3A_677] : memref<16384xf32, #tpu.memory_space<vmem>>[vector<16xi32>], vector<16xf32>,
    tpu.vector_store_idx %arg11[%add3A_680], %gather3A_681 : memref<3072xf32, #tpu.memory_space<vmem>>[vector<16xi32>], vector<16xf32>,
    %add3A_682 = arith.constant 1 : i32
    %add3A_683 = vector.broadcast %add3A_682 : i32 to vector<16xi32>
    %add3A_684 = arith.addi %add3A_680, %add3A_683 : vector<16xi32>
    %gather3A_685 = tpu.vector_load_idx %arg8[%get3A_677] : memref<16384xf32, #tpu.memory_space<vmem>>[vector<16xi32>], vector<16xf32>,
    tpu.vector_store_idx %arg11[%add3A_684], %gather3A_685 : memref<3072xf32, #tpu.memory_space<vmem>>[vector<16xi32>], vector<16xf32>,
    %add3A_686 = arith.constant 2 : i32
    %add3A_687 = vector.broadcast %add3A_686 : i32 to vector<16xi32>
    %add3A_688 = arith.addi %add3A_680, %add3A_687 : vector<16xi32>
    %gather3A_689 = tpu.vector_load_idx %arg9[%get3A_677] : memref<16384xf32, #tpu.memory_space<vmem>>[vector<16xi32>], vector<16xf32>,
    tpu.vector_store_idx %arg11[%add3A_688], %gather3A_689 : memref<3072xf32, #tpu.memory_space<vmem>>[vector<16xi32>], vector<16xf32>,
    %get3A_690 = arith.constant 784 : index
    %get3A_691 = tpu.vector_load %arg10[%get3A_690] {strides = array<i32>} : memref<1024xi32, #tpu.memory_space<vmem>>, vector<16xi32>,
    %add3A_692 = arith.constant 2352 : i32
    %add3A_693 = vector.broadcast %add3A_692 : i32 to vector<16xi32>
    %add3A_694 = arith.addi %mul3A_5, %add3A_693 : vector<16xi32>
    %gather3A_695 = tpu.vector_load_idx %arg7[%get3A_691] : memref<16384xf32, #tpu.memory_space<vmem>>[vector<16xi32>], vector<16xf32>,
    tpu.vector_store_idx %arg11[%add3A_694], %gather3A_695 : memref<3072xf32, #tpu.memory_space<vmem>>[vector<16xi32>], vector<16xf32>,
    %add3A_696 = arith.constant 1 : i32
    %add3A_697 = vector.broadcast %add3A_696 : i32 to vector<16xi32>
    %add3A_698 = arith.addi %add3A_694, %add3A_697 : vector<16xi32>
    %gather3A_699 = tpu.vector_load_idx %arg8[%get3A_691] : memref<16384xf32, #tpu.memory_space<vmem>>[vector<16xi32>], vector<16xf32>,
    tpu.vector_store_idx %arg11[%add3A_698], %gather3A_699 : memref<3072xf32, #tpu.memory_space<vmem>>[vector<16xi32>], vector<16xf32>,
    %add3A_700 = arith.constant 2 : i32
    %add3A_701 = vector.broadcast %add3A_700 : i32 to vector<16xi32>
    %add3A_702 = arith.addi %add3A_694, %add3A_701 : vector<16xi32>
    %gather3A_703 = tpu.vector_load_idx %arg9[%get3A_691] : memref<16384xf32, #tpu.memory_space<vmem>>[vector<16xi32>], vector<16xf32>,
    tpu.vector_store_idx %arg11[%add3A_702], %gather3A_703 : memref<3072xf32, #tpu.memory_space<vmem>>[vector<16xi32>], vector<16xf32>,
    %get3A_704 = arith.constant 800 : index
    %get3A_705 = tpu.vector_load %arg10[%get3A_704] {strides = array<i32>} : memref<1024xi32, #tpu.memory_space<vmem>>, vector<16xi32>,
    %add3A_706 = arith.constant 2400 : i32
    %add3A_707 = vector.broadcast %add3A_706 : i32 to vector<16xi32>
    %add3A_708 = arith.addi %mul3A_5, %add3A_707 : vector<16xi32>
    %gather3A_709 = tpu.vector_load_idx %arg7[%get3A_705] : memref<16384xf32, #tpu.memory_space<vmem>>[vector<16xi32>], vector<16xf32>,
    tpu.vector_store_idx %arg11[%add3A_708], %gather3A_709 : memref<3072xf32, #tpu.memory_space<vmem>>[vector<16xi32>], vector<16xf32>,
    %add3A_710 = arith.constant 1 : i32
    %add3A_711 = vector.broadcast %add3A_710 : i32 to vector<16xi32>
    %add3A_712 = arith.addi %add3A_708, %add3A_711 : vector<16xi32>
    %gather3A_713 = tpu.vector_load_idx %arg8[%get3A_705] : memref<16384xf32, #tpu.memory_space<vmem>>[vector<16xi32>], vector<16xf32>,
    tpu.vector_store_idx %arg11[%add3A_712], %gather3A_713 : memref<3072xf32, #tpu.memory_space<vmem>>[vector<16xi32>], vector<16xf32>,
    %add3A_714 = arith.constant 2 : i32
    %add3A_715 = vector.broadcast %add3A_714 : i32 to vector<16xi32>
    %add3A_716 = arith.addi %add3A_708, %add3A_715 : vector<16xi32>
    %gather3A_717 = tpu.vector_load_idx %arg9[%get3A_705] : memref<16384xf32, #tpu.memory_space<vmem>>[vector<16xi32>], vector<16xf32>,
    tpu.vector_store_idx %arg11[%add3A_716], %gather3A_717 : memref<3072xf32, #tpu.memory_space<vmem>>[vector<16xi32>], vector<16xf32>,
    %get3A_718 = arith.constant 816 : index
    %get3A_719 = tpu.vector_load %arg10[%get3A_718] {strides = array<i32>} : memref<1024xi32, #tpu.memory_space<vmem>>, vector<16xi32>,
    %add3A_720 = arith.constant 2448 : i32
    %add3A_721 = vector.broadcast %add3A_720 : i32 to vector<16xi32>
    %add3A_722 = arith.addi %mul3A_5, %add3A_721 : vector<16xi32>
    %gather3A_723 = tpu.vector_load_idx %arg7[%get3A_719] : memref<16384xf32, #tpu.memory_space<vmem>>[vector<16xi32>], vector<16xf32>,
    tpu.vector_store_idx %arg11[%add3A_722], %gather3A_723 : memref<3072xf32, #tpu.memory_space<vmem>>[vector<16xi32>], vector<16xf32>,
    %add3A_724 = arith.constant 1 : i32
    %add3A_725 = vector.broadcast %add3A_724 : i32 to vector<16xi32>
    %add3A_726 = arith.addi %add3A_722, %add3A_725 : vector<16xi32>
    %gather3A_727 = tpu.vector_load_idx %arg8[%get3A_719] : memref<16384xf32, #tpu.memory_space<vmem>>[vector<16xi32>], vector<16xf32>,
    tpu.vector_store_idx %arg11[%add3A_726], %gather3A_727 : memref<3072xf32, #tpu.memory_space<vmem>>[vector<16xi32>], vector<16xf32>,
    %add3A_728 = arith.constant 2 : i32
    %add3A_729 = vector.broadcast %add3A_728 : i32 to vector<16xi32>
    %add3A_730 = arith.addi %add3A_722, %add3A_729 : vector<16xi32>
    %gather3A_731 = tpu.vector_load_idx %arg9[%get3A_719] : memref<16384xf32, #tpu.memory_space<vmem>>[vector<16xi32>], vector<16xf32>,
    tpu.vector_store_idx %arg11[%add3A_730], %gather3A_731 : memref<3072xf32, #tpu.memory_space<vmem>>[vector<16xi32>], vector<16xf32>,
    %get3A_732 = arith.constant 832 : index
    %get3A_733 = tpu.vector_load %arg10[%get3A_732] {strides = array<i32>} : memref<1024xi32, #tpu.memory_space<vmem>>, vector<16xi32>,
    %add3A_734 = arith.constant 2496 : i32
    %add3A_735 = vector.broadcast %add3A_734 : i32 to vector<16xi32>
    %add3A_736 = arith.addi %mul3A_5, %add3A_735 : vector<16xi32>
    %gather3A_737 = tpu.vector_load_idx %arg7[%get3A_733] : memref<16384xf32, #tpu.memory_space<vmem>>[vector<16xi32>], vector<16xf32>,
    tpu.vector_store_idx %arg11[%add3A_736], %gather3A_737 : memref<3072xf32, #tpu.memory_space<vmem>>[vector<16xi32>], vector<16xf32>,
    %add3A_738 = arith.constant 1 : i32
    %add3A_739 = vector.broadcast %add3A_738 : i32 to vector<16xi32>
    %add3A_740 = arith.addi %add3A_736, %add3A_739 : vector<16xi32>
    %gather3A_741 = tpu.vector_load_idx %arg8[%get3A_733] : memref<16384xf32, #tpu.memory_space<vmem>>[vector<16xi32>], vector<16xf32>,
    tpu.vector_store_idx %arg11[%add3A_740], %gather3A_741 : memref<3072xf32, #tpu.memory_space<vmem>>[vector<16xi32>], vector<16xf32>,
    %add3A_742 = arith.constant 2 : i32
    %add3A_743 = vector.broadcast %add3A_742 : i32 to vector<16xi32>
    %add3A_744 = arith.addi %add3A_736, %add3A_743 : vector<16xi32>
    %gather3A_745 = tpu.vector_load_idx %arg9[%get3A_733] : memref<16384xf32, #tpu.memory_space<vmem>>[vector<16xi32>], vector<16xf32>,
    tpu.vector_store_idx %arg11[%add3A_744], %gather3A_745 : memref<3072xf32, #tpu.memory_space<vmem>>[vector<16xi32>], vector<16xf32>,
    %get3A_746 = arith.constant 848 : index
    %get3A_747 = tpu.vector_load %arg10[%get3A_746] {strides = array<i32>} : memref<1024xi32, #tpu.memory_space<vmem>>, vector<16xi32>,
    %add3A_748 = arith.constant 2544 : i32
    %add3A_749 = vector.broadcast %add3A_748 : i32 to vector<16xi32>
    %add3A_750 = arith.addi %mul3A_5, %add3A_749 : vector<16xi32>
    %gather3A_751 = tpu.vector_load_idx %arg7[%get3A_747] : memref<16384xf32, #tpu.memory_space<vmem>>[vector<16xi32>], vector<16xf32>,
    tpu.vector_store_idx %arg11[%add3A_750], %gather3A_751 : memref<3072xf32, #tpu.memory_space<vmem>>[vector<16xi32>], vector<16xf32>,
    %add3A_752 = arith.constant 1 : i32
    %add3A_753 = vector.broadcast %add3A_752 : i32 to vector<16xi32>
    %add3A_754 = arith.addi %add3A_750, %add3A_753 : vector<16xi32>
    %gather3A_755 = tpu.vector_load_idx %arg8[%get3A_747] : memref<16384xf32, #tpu.memory_space<vmem>>[vector<16xi32>], vector<16xf32>,
    tpu.vector_store_idx %arg11[%add3A_754], %gather3A_755 : memref<3072xf32, #tpu.memory_space<vmem>>[vector<16xi32>], vector<16xf32>,
    %add3A_756 = arith.constant 2 : i32
    %add3A_757 = vector.broadcast %add3A_756 : i32 to vector<16xi32>
    %add3A_758 = arith.addi %add3A_750, %add3A_757 : vector<16xi32>
    %gather3A_759 = tpu.vector_load_idx %arg9[%get3A_747] : memref<16384xf32, #tpu.memory_space<vmem>>[vector<16xi32>], vector<16xf32>,
    tpu.vector_store_idx %arg11[%add3A_758], %gather3A_759 : memref<3072xf32, #tpu.memory_space<vmem>>[vector<16xi32>], vector<16xf32>,
    %get3A_760 = arith.constant 864 : index
    %get3A_761 = tpu.vector_load %arg10[%get3A_760] {strides = array<i32>} : memref<1024xi32, #tpu.memory_space<vmem>>, vector<16xi32>,
    %add3A_762 = arith.constant 2592 : i32
    %add3A_763 = vector.broadcast %add3A_762 : i32 to vector<16xi32>
    %add3A_764 = arith.addi %mul3A_5, %add3A_763 : vector<16xi32>
    %gather3A_765 = tpu.vector_load_idx %arg7[%get3A_761] : memref<16384xf32, #tpu.memory_space<vmem>>[vector<16xi32>], vector<16xf32>,
    tpu.vector_store_idx %arg11[%add3A_764], %gather3A_765 : memref<3072xf32, #tpu.memory_space<vmem>>[vector<16xi32>], vector<16xf32>,
    %add3A_766 = arith.constant 1 : i32
    %add3A_767 = vector.broadcast %add3A_766 : i32 to vector<16xi32>
    %add3A_768 = arith.addi %add3A_764, %add3A_767 : vector<16xi32>
    %gather3A_769 = tpu.vector_load_idx %arg8[%get3A_761] : memref<16384xf32, #tpu.memory_space<vmem>>[vector<16xi32>], vector<16xf32>,
    tpu.vector_store_idx %arg11[%add3A_768], %gather3A_769 : memref<3072xf32, #tpu.memory_space<vmem>>[vector<16xi32>], vector<16xf32>,
    %add3A_770 = arith.constant 2 : i32
    %add3A_771 = vector.broadcast %add3A_770 : i32 to vector<16xi32>
    %add3A_772 = arith.addi %add3A_764, %add3A_771 : vector<16xi32>
    %gather3A_773 = tpu.vector_load_idx %arg9[%get3A_761] : memref<16384xf32, #tpu.memory_space<vmem>>[vector<16xi32>], vector<16xf32>,
    tpu.vector_store_idx %arg11[%add3A_772], %gather3A_773 : memref<3072xf32, #tpu.memory_space<vmem>>[vector<16xi32>], vector<16xf32>,
    %get3A_774 = arith.constant 880 : index
    %get3A_775 = tpu.vector_load %arg10[%get3A_774] {strides = array<i32>} : memref<1024xi32, #tpu.memory_space<vmem>>, vector<16xi32>,
    %add3A_776 = arith.constant 2640 : i32
    %add3A_777 = vector.broadcast %add3A_776 : i32 to vector<16xi32>
    %add3A_778 = arith.addi %mul3A_5, %add3A_777 : vector<16xi32>
    %gather3A_779 = tpu.vector_load_idx %arg7[%get3A_775] : memref<16384xf32, #tpu.memory_space<vmem>>[vector<16xi32>], vector<16xf32>,
    tpu.vector_store_idx %arg11[%add3A_778], %gather3A_779 : memref<3072xf32, #tpu.memory_space<vmem>>[vector<16xi32>], vector<16xf32>,
    %add3A_780 = arith.constant 1 : i32
    %add3A_781 = vector.broadcast %add3A_780 : i32 to vector<16xi32>
    %add3A_782 = arith.addi %add3A_778, %add3A_781 : vector<16xi32>
    %gather3A_783 = tpu.vector_load_idx %arg8[%get3A_775] : memref<16384xf32, #tpu.memory_space<vmem>>[vector<16xi32>], vector<16xf32>,
    tpu.vector_store_idx %arg11[%add3A_782], %gather3A_783 : memref<3072xf32, #tpu.memory_space<vmem>>[vector<16xi32>], vector<16xf32>,
    %add3A_784 = arith.constant 2 : i32
    %add3A_785 = vector.broadcast %add3A_784 : i32 to vector<16xi32>
    %add3A_786 = arith.addi %add3A_778, %add3A_785 : vector<16xi32>
    %gather3A_787 = tpu.vector_load_idx %arg9[%get3A_775] : memref<16384xf32, #tpu.memory_space<vmem>>[vector<16xi32>], vector<16xf32>,
    tpu.vector_store_idx %arg11[%add3A_786], %gather3A_787 : memref<3072xf32, #tpu.memory_space<vmem>>[vector<16xi32>], vector<16xf32>,
    %get3A_788 = arith.constant 896 : index
    %get3A_789 = tpu.vector_load %arg10[%get3A_788] {strides = array<i32>} : memref<1024xi32, #tpu.memory_space<vmem>>, vector<16xi32>,
    %add3A_790 = arith.constant 2688 : i32
    %add3A_791 = vector.broadcast %add3A_790 : i32 to vector<16xi32>
    %add3A_792 = arith.addi %mul3A_5, %add3A_791 : vector<16xi32>
    %gather3A_793 = tpu.vector_load_idx %arg7[%get3A_789] : memref<16384xf32, #tpu.memory_space<vmem>>[vector<16xi32>], vector<16xf32>,
    tpu.vector_store_idx %arg11[%add3A_792], %gather3A_793 : memref<3072xf32, #tpu.memory_space<vmem>>[vector<16xi32>], vector<16xf32>,
    %add3A_794 = arith.constant 1 : i32
    %add3A_795 = vector.broadcast %add3A_794 : i32 to vector<16xi32>
    %add3A_796 = arith.addi %add3A_792, %add3A_795 : vector<16xi32>
    %gather3A_797 = tpu.vector_load_idx %arg8[%get3A_789] : memref<16384xf32, #tpu.memory_space<vmem>>[vector<16xi32>], vector<16xf32>,
    tpu.vector_store_idx %arg11[%add3A_796], %gather3A_797 : memref<3072xf32, #tpu.memory_space<vmem>>[vector<16xi32>], vector<16xf32>,
    %add3A_798 = arith.constant 2 : i32
    %add3A_799 = vector.broadcast %add3A_798 : i32 to vector<16xi32>
    %add3A_800 = arith.addi %add3A_792, %add3A_799 : vector<16xi32>
    %gather3A_801 = tpu.vector_load_idx %arg9[%get3A_789] : memref<16384xf32, #tpu.memory_space<vmem>>[vector<16xi32>], vector<16xf32>,
    tpu.vector_store_idx %arg11[%add3A_800], %gather3A_801 : memref<3072xf32, #tpu.memory_space<vmem>>[vector<16xi32>], vector<16xf32>,
    %get3A_802 = arith.constant 912 : index
    %get3A_803 = tpu.vector_load %arg10[%get3A_802] {strides = array<i32>} : memref<1024xi32, #tpu.memory_space<vmem>>, vector<16xi32>,
    %add3A_804 = arith.constant 2736 : i32
    %add3A_805 = vector.broadcast %add3A_804 : i32 to vector<16xi32>
    %add3A_806 = arith.addi %mul3A_5, %add3A_805 : vector<16xi32>
    %gather3A_807 = tpu.vector_load_idx %arg7[%get3A_803] : memref<16384xf32, #tpu.memory_space<vmem>>[vector<16xi32>], vector<16xf32>,
    tpu.vector_store_idx %arg11[%add3A_806], %gather3A_807 : memref<3072xf32, #tpu.memory_space<vmem>>[vector<16xi32>], vector<16xf32>,
    %add3A_808 = arith.constant 1 : i32
    %add3A_809 = vector.broadcast %add3A_808 : i32 to vector<16xi32>
    %add3A_810 = arith.addi %add3A_806, %add3A_809 : vector<16xi32>
    %gather3A_811 = tpu.vector_load_idx %arg8[%get3A_803] : memref<16384xf32, #tpu.memory_space<vmem>>[vector<16xi32>], vector<16xf32>,
    tpu.vector_store_idx %arg11[%add3A_810], %gather3A_811 : memref<3072xf32, #tpu.memory_space<vmem>>[vector<16xi32>], vector<16xf32>,
    %add3A_812 = arith.constant 2 : i32
    %add3A_813 = vector.broadcast %add3A_812 : i32 to vector<16xi32>
    %add3A_814 = arith.addi %add3A_806, %add3A_813 : vector<16xi32>
    %gather3A_815 = tpu.vector_load_idx %arg9[%get3A_803] : memref<16384xf32, #tpu.memory_space<vmem>>[vector<16xi32>], vector<16xf32>,
    tpu.vector_store_idx %arg11[%add3A_814], %gather3A_815 : memref<3072xf32, #tpu.memory_space<vmem>>[vector<16xi32>], vector<16xf32>,
    %get3A_816 = arith.constant 928 : index
    %get3A_817 = tpu.vector_load %arg10[%get3A_816] {strides = array<i32>} : memref<1024xi32, #tpu.memory_space<vmem>>, vector<16xi32>,
    %add3A_818 = arith.constant 2784 : i32
    %add3A_819 = vector.broadcast %add3A_818 : i32 to vector<16xi32>
    %add3A_820 = arith.addi %mul3A_5, %add3A_819 : vector<16xi32>
    %gather3A_821 = tpu.vector_load_idx %arg7[%get3A_817] : memref<16384xf32, #tpu.memory_space<vmem>>[vector<16xi32>], vector<16xf32>,
    tpu.vector_store_idx %arg11[%add3A_820], %gather3A_821 : memref<3072xf32, #tpu.memory_space<vmem>>[vector<16xi32>], vector<16xf32>,
    %add3A_822 = arith.constant 1 : i32
    %add3A_823 = vector.broadcast %add3A_822 : i32 to vector<16xi32>
    %add3A_824 = arith.addi %add3A_820, %add3A_823 : vector<16xi32>
    %gather3A_825 = tpu.vector_load_idx %arg8[%get3A_817] : memref<16384xf32, #tpu.memory_space<vmem>>[vector<16xi32>], vector<16xf32>,
    tpu.vector_store_idx %arg11[%add3A_824], %gather3A_825 : memref<3072xf32, #tpu.memory_space<vmem>>[vector<16xi32>], vector<16xf32>,
    %add3A_826 = arith.constant 2 : i32
    %add3A_827 = vector.broadcast %add3A_826 : i32 to vector<16xi32>
    %add3A_828 = arith.addi %add3A_820, %add3A_827 : vector<16xi32>
    %gather3A_829 = tpu.vector_load_idx %arg9[%get3A_817] : memref<16384xf32, #tpu.memory_space<vmem>>[vector<16xi32>], vector<16xf32>,
    tpu.vector_store_idx %arg11[%add3A_828], %gather3A_829 : memref<3072xf32, #tpu.memory_space<vmem>>[vector<16xi32>], vector<16xf32>,
    %get3A_830 = arith.constant 944 : index
    %get3A_831 = tpu.vector_load %arg10[%get3A_830] {strides = array<i32>} : memref<1024xi32, #tpu.memory_space<vmem>>, vector<16xi32>,
    %add3A_832 = arith.constant 2832 : i32
    %add3A_833 = vector.broadcast %add3A_832 : i32 to vector<16xi32>
    %add3A_834 = arith.addi %mul3A_5, %add3A_833 : vector<16xi32>
    %gather3A_835 = tpu.vector_load_idx %arg7[%get3A_831] : memref<16384xf32, #tpu.memory_space<vmem>>[vector<16xi32>], vector<16xf32>,
    tpu.vector_store_idx %arg11[%add3A_834], %gather3A_835 : memref<3072xf32, #tpu.memory_space<vmem>>[vector<16xi32>], vector<16xf32>,
    %add3A_836 = arith.constant 1 : i32
    %add3A_837 = vector.broadcast %add3A_836 : i32 to vector<16xi32>
    %add3A_838 = arith.addi %add3A_834, %add3A_837 : vector<16xi32>
    %gather3A_839 = tpu.vector_load_idx %arg8[%get3A_831] : memref<16384xf32, #tpu.memory_space<vmem>>[vector<16xi32>], vector<16xf32>,
    tpu.vector_store_idx %arg11[%add3A_838], %gather3A_839 : memref<3072xf32, #tpu.memory_space<vmem>>[vector<16xi32>], vector<16xf32>,
    %add3A_840 = arith.constant 2 : i32
    %add3A_841 = vector.broadcast %add3A_840 : i32 to vector<16xi32>
    %add3A_842 = arith.addi %add3A_834, %add3A_841 : vector<16xi32>
    %gather3A_843 = tpu.vector_load_idx %arg9[%get3A_831] : memref<16384xf32, #tpu.memory_space<vmem>>[vector<16xi32>], vector<16xf32>,
    tpu.vector_store_idx %arg11[%add3A_842], %gather3A_843 : memref<3072xf32, #tpu.memory_space<vmem>>[vector<16xi32>], vector<16xf32>,
    %get3A_844 = arith.constant 960 : index
    %get3A_845 = tpu.vector_load %arg10[%get3A_844] {strides = array<i32>} : memref<1024xi32, #tpu.memory_space<vmem>>, vector<16xi32>,
    %add3A_846 = arith.constant 2880 : i32
    %add3A_847 = vector.broadcast %add3A_846 : i32 to vector<16xi32>
    %add3A_848 = arith.addi %mul3A_5, %add3A_847 : vector<16xi32>
    %gather3A_849 = tpu.vector_load_idx %arg7[%get3A_845] : memref<16384xf32, #tpu.memory_space<vmem>>[vector<16xi32>], vector<16xf32>,
    tpu.vector_store_idx %arg11[%add3A_848], %gather3A_849 : memref<3072xf32, #tpu.memory_space<vmem>>[vector<16xi32>], vector<16xf32>,
    %add3A_850 = arith.constant 1 : i32
    %add3A_851 = vector.broadcast %add3A_850 : i32 to vector<16xi32>
    %add3A_852 = arith.addi %add3A_848, %add3A_851 : vector<16xi32>
    %gather3A_853 = tpu.vector_load_idx %arg8[%get3A_845] : memref<16384xf32, #tpu.memory_space<vmem>>[vector<16xi32>], vector<16xf32>,
    tpu.vector_store_idx %arg11[%add3A_852], %gather3A_853 : memref<3072xf32, #tpu.memory_space<vmem>>[vector<16xi32>], vector<16xf32>,
    %add3A_854 = arith.constant 2 : i32
    %add3A_855 = vector.broadcast %add3A_854 : i32 to vector<16xi32>
    %add3A_856 = arith.addi %add3A_848, %add3A_855 : vector<16xi32>
    %gather3A_857 = tpu.vector_load_idx %arg9[%get3A_845] : memref<16384xf32, #tpu.memory_space<vmem>>[vector<16xi32>], vector<16xf32>,
    tpu.vector_store_idx %arg11[%add3A_856], %gather3A_857 : memref<3072xf32, #tpu.memory_space<vmem>>[vector<16xi32>], vector<16xf32>,
    %get3A_858 = arith.constant 976 : index
    %get3A_859 = tpu.vector_load %arg10[%get3A_858] {strides = array<i32>} : memref<1024xi32, #tpu.memory_space<vmem>>, vector<16xi32>,
    %add3A_860 = arith.constant 2928 : i32
    %add3A_861 = vector.broadcast %add3A_860 : i32 to vector<16xi32>
    %add3A_862 = arith.addi %mul3A_5, %add3A_861 : vector<16xi32>
    %gather3A_863 = tpu.vector_load_idx %arg7[%get3A_859] : memref<16384xf32, #tpu.memory_space<vmem>>[vector<16xi32>], vector<16xf32>,
    tpu.vector_store_idx %arg11[%add3A_862], %gather3A_863 : memref<3072xf32, #tpu.memory_space<vmem>>[vector<16xi32>], vector<16xf32>,
    %add3A_864 = arith.constant 1 : i32
    %add3A_865 = vector.broadcast %add3A_864 : i32 to vector<16xi32>
    %add3A_866 = arith.addi %add3A_862, %add3A_865 : vector<16xi32>
    %gather3A_867 = tpu.vector_load_idx %arg8[%get3A_859] : memref<16384xf32, #tpu.memory_space<vmem>>[vector<16xi32>], vector<16xf32>,
    tpu.vector_store_idx %arg11[%add3A_866], %gather3A_867 : memref<3072xf32, #tpu.memory_space<vmem>>[vector<16xi32>], vector<16xf32>,
    %add3A_868 = arith.constant 2 : i32
    %add3A_869 = vector.broadcast %add3A_868 : i32 to vector<16xi32>
    %add3A_870 = arith.addi %add3A_862, %add3A_869 : vector<16xi32>
    %gather3A_871 = tpu.vector_load_idx %arg9[%get3A_859] : memref<16384xf32, #tpu.memory_space<vmem>>[vector<16xi32>], vector<16xf32>,
    tpu.vector_store_idx %arg11[%add3A_870], %gather3A_871 : memref<3072xf32, #tpu.memory_space<vmem>>[vector<16xi32>], vector<16xf32>,
    %get3A_872 = arith.constant 992 : index
    %get3A_873 = tpu.vector_load %arg10[%get3A_872] {strides = array<i32>} : memref<1024xi32, #tpu.memory_space<vmem>>, vector<16xi32>,
    %add3A_874 = arith.constant 2976 : i32
    %add3A_875 = vector.broadcast %add3A_874 : i32 to vector<16xi32>
    %add3A_876 = arith.addi %mul3A_5, %add3A_875 : vector<16xi32>
    %gather3A_877 = tpu.vector_load_idx %arg7[%get3A_873] : memref<16384xf32, #tpu.memory_space<vmem>>[vector<16xi32>], vector<16xf32>,
    tpu.vector_store_idx %arg11[%add3A_876], %gather3A_877 : memref<3072xf32, #tpu.memory_space<vmem>>[vector<16xi32>], vector<16xf32>,
    %add3A_878 = arith.constant 1 : i32
    %add3A_879 = vector.broadcast %add3A_878 : i32 to vector<16xi32>
    %add3A_880 = arith.addi %add3A_876, %add3A_879 : vector<16xi32>
    %gather3A_881 = tpu.vector_load_idx %arg8[%get3A_873] : memref<16384xf32, #tpu.memory_space<vmem>>[vector<16xi32>], vector<16xf32>,
    tpu.vector_store_idx %arg11[%add3A_880], %gather3A_881 : memref<3072xf32, #tpu.memory_space<vmem>>[vector<16xi32>], vector<16xf32>,
    %add3A_882 = arith.constant 2 : i32
    %add3A_883 = vector.broadcast %add3A_882 : i32 to vector<16xi32>
    %add3A_884 = arith.addi %add3A_876, %add3A_883 : vector<16xi32>
    %gather3A_885 = tpu.vector_load_idx %arg9[%get3A_873] : memref<16384xf32, #tpu.memory_space<vmem>>[vector<16xi32>], vector<16xf32>,
    tpu.vector_store_idx %arg11[%add3A_884], %gather3A_885 : memref<3072xf32, #tpu.memory_space<vmem>>[vector<16xi32>], vector<16xf32>,
    %get3A_886 = arith.constant 1008 : index
    %get3A_887 = tpu.vector_load %arg10[%get3A_886] {strides = array<i32>} : memref<1024xi32, #tpu.memory_space<vmem>>, vector<16xi32>,
    %add3A_888 = arith.constant 3024 : i32
    %add3A_889 = vector.broadcast %add3A_888 : i32 to vector<16xi32>
    %add3A_890 = arith.addi %mul3A_5, %add3A_889 : vector<16xi32>
    %gather3A_891 = tpu.vector_load_idx %arg7[%get3A_887] : memref<16384xf32, #tpu.memory_space<vmem>>[vector<16xi32>], vector<16xf32>,
    tpu.vector_store_idx %arg11[%add3A_890], %gather3A_891 : memref<3072xf32, #tpu.memory_space<vmem>>[vector<16xi32>], vector<16xf32>,
    %add3A_892 = arith.constant 1 : i32
    %add3A_893 = vector.broadcast %add3A_892 : i32 to vector<16xi32>
    %add3A_894 = arith.addi %add3A_890, %add3A_893 : vector<16xi32>
    %gather3A_895 = tpu.vector_load_idx %arg8[%get3A_887] : memref<16384xf32, #tpu.memory_space<vmem>>[vector<16xi32>], vector<16xf32>,
    tpu.vector_store_idx %arg11[%add3A_894], %gather3A_895 : memref<3072xf32, #tpu.memory_space<vmem>>[vector<16xi32>], vector<16xf32>,
    %add3A_896 = arith.constant 2 : i32
    %add3A_897 = vector.broadcast %add3A_896 : i32 to vector<16xi32>
    %add3A_898 = arith.addi %add3A_890, %add3A_897 : vector<16xi32>
    %gather3A_899 = tpu.vector_load_idx %arg9[%get3A_887] : memref<16384xf32, #tpu.memory_space<vmem>>[vector<16xi32>], vector<16xf32>,
    tpu.vector_store_idx %arg11[%add3A_898], %gather3A_899 : memref<3072xf32, #tpu.memory_space<vmem>>[vector<16xi32>], vector<16xf32>,
    %mul3A_900 = arith.constant 3 : i32
    %mul3A_901 = arith.muli %mul3A_2, %mul3A_900 : i32
    "tpu.region"() ({
      %run_scoped3A = tpu.sem_alloc : memref<!tpu.dma_semaphore, #tpu.memory_space<semaphore_mem>>
      %dma_start3A = tpu.memref_slice %arg6[%mul3A_901] : memref<98304xf32, #tpu.memory_space<hbm>> -> memref<3072xf32, #tpu.memory_space<hbm>>
      %dma_start3A_902 = tpu.memref_slice %arg6[%mul3A_901] : memref<98304xf32, #tpu.memory_space<hbm>> -> memref<3072xf32, #tpu.memory_space<hbm>>
      tpu.enqueue_dma source(%arg11 : memref<3072xf32, #tpu.memory_space<vmem>>) target(%dma_start3A_902 : memref<3072xf32, #tpu.memory_space<hbm>>) target_semaphore(%run_scoped3A : memref<!tpu.dma_semaphore, #tpu.memory_space<semaphore_mem>>)
      %dma_wait3A = tpu.memref_slice %arg6[%mul3A_901] : memref<98304xf32, #tpu.memory_space<hbm>> -> memref<3072xf32, #tpu.memory_space<hbm>>
      %dma_wait3A_903 = tpu.memref_slice %arg6[%mul3A_901] : memref<98304xf32, #tpu.memory_space<hbm>> -> memref<3072xf32, #tpu.memory_space<hbm>>
      tpu.wait_dma2 semaphore(%run_scoped3A : memref<!tpu.dma_semaphore, #tpu.memory_space<semaphore_mem>>) src(%arg11 : memref<3072xf32, #tpu.memory_space<vmem>>) dst(%dma_wait3A_903 : memref<3072xf32, #tpu.memory_space<hbm>>)
      tpu.yield
    }) : () -> ()
    return
  }
}

</mosaic_0001>

<sc_bundles>
// kernel: _sc_gather.3.cloned.1.call-start
scs
__scs_entry_jumppad:
0x0: {  	(pc) =	sbr.rel $0x88, $3  }
0x1: {  	(tag) =	ssettag $0x0;
	lr =	simm.s32 $0x1  }
0x2: {  	[smem:$0x3F9D] =	sst lr;
	_ =	strace $0xD0000000  }
0x3: {  	_ = 	snop  }
0x4: {  	_ = 	snop  }
0x5: {  	_ = 	snop  }
0x6: {  	_ = 	snop  }
0x7: {  	_ = 	snop  }
__scs_overlays_trampoline_lowered:
0x8: {  	[smem:$0x3FAC] =	sst s0  }
0x9: {  	[smem:$0x3FAD] =	sst s1  }
0xa: {  	[smem:$0x3FAE] =	sst s2  }
0xb: {  	[smem:$0x3FAF] =	sst s3  }
0xc: {  	[smem:$0x3FB0] =	sst s4  }
0xd: {  	[smem:$0x3FB1] =	sst s5  }
0xe: {  	[smem:$0x3FB2] =	sst s6  }
0xf: {  	[smem:$0x3FB3] =	sst s7  }
0x10: {  	[smem:$0x3FB4] =	sst s8  }
0x11: {  	[smem:$0x3FB5] =	sst s9;
	s0 =	simm.s32 @!p0 $0x0  }
0x12: {  	s1 =	sld [smem:$0x3F9B];
	s0 =	simm.s32 @p0 $0x1  }
0x13: {  	[smem:$0x3FB6] =	sst s0;
	s0 =	simm.s32 @!p1 $0x0  }
0x14: {  	s2 =	sld [smem:$0x3F9A];
	s0 =	simm.s32 @p1 $0x1  }
0x15: {  	[smem:$0x3FB7] =	sst s0;
	s0 =	simm.s32 @!p2 $0x0  }
0x16: {  	s3 =	sld [smem:$0x3FDB];
	s0 =	simm.s32 @p2 $0x1  }
0x17: {  	s4 =	simm.s32 $0x1BF5;
	[smem:$0x3FB9] =	sst s0  }
0x18: {  	s0 =	sld [smem:$0x3F9C];
	_ =	swait.ge [sflag:s4], $0x0  }
0x19: {  	s7 =	sld [smem:$0x3F9D]  }
0x1a: {  	s8 =	sadd.s32 $0xFFFFE003, lr  }
0x1b: {  	s9 =	sadd.s32 $0xFFFFFEF7, lr;
	s5 =	simm.s32 $0xFFFFFFFF;
	p2 =	slt.u32 s8, $0xFFFFF086  }
0x1c: {  	p1 =	slt.u32 s9, $0xF7A;
	s5 =	simm.s32 @!p2 $0x0  }
0x1d: {  	s5 =	simm.s32 @p1 $0x1;
	p0 =	seq.s32 s7, s2  }
0x1e: {  	s7 =	smul.u32 @!p0 $0xF7A, s2;
	p2 =	seq.s32 @!p0 s5, $0x0  }
0x1f: {  	s9 =	smul.u32 $0xF7A, s1;
	s8 =	simm.s32 @!p0 $0x1BF5;
	p2 =	por !p2, p0  }
0x20: {  	[sflag:s8] =	ssyncset.s32 @!p0 $0xFFFFF086;
	s6 =	sadd.s32 @!p0 s3, s7;
	s7 =	simm.s32 @!p0 $0x108  }
0x21: {  	s3 =	sadd.s32 s3, s9;
	s6 =	sadd.s32 @!p0 $0x88, s6;
	s7 =	simm.s32 @p2 $0x1082  }
0x22: {  	[simem:s7], [sflag:s8] =	dma.local @!p0 [hbm:s6], $0xF7A  }
0x23: {  	s9 =	sor.u32 $0xD0000000, s2;
	s6 =	simm.s32 $0x108;
	_ =	swait.ge @!p0 [sflag:s8], $0x0  }
0x24: {  	s3 =	sadd.s32 $0x88, s3;
	s6 =	simm.s32 @!p1 $0x1082;
	[sflag:s4] =	ssyncset.s32 $0xFFFFF086  }
0x25: {  	[simem:s6], [sflag:s4] =	dma.local [hbm:s3], $0xF7A  }
0x26: {  	[smem:$0x3F9D] =	sst s1;
	(tag) =	ssettag s2;
	_ =	strace s9  }
0x27: {  	s1 =	sld [smem:$0x3FAD]  }
0x28: {  	s2 =	sld [smem:$0x3FAE]  }
0x29: {  	s4 =	sld [smem:$0x3FB0]  }
0x2a: {  	p0 =	seq.s32 s5, $0x0;
	s5 =	sld [smem:$0x3FB1]  }
0x2b: {  	s6 =	sld [smem:$0x3FB2]  }
0x2c: {  	s7 =	sld [smem:$0x3FB3]  }
0x2d: {  	s3 =	simm.s32 $0x108;
	s8 =	sld [smem:$0x3FB4]  }
0x2e: {  	s3 =	simm.s32 @!p0 $0x1082;
	s9 =	sld [smem:$0x3FB5]  }
0x2f: {  	lr =	sadd.s32 s0, s3;
	s0 =	sld [smem:$0x3FAC]  }
0x30: {  	s3 =	sld [smem:$0x3FAF]  }
0x31: {  	[smem:$0x3FB8] =	sst s10  }
0x32: {  	s10 =	sld [smem:$0x3FB6];
	_ =	sdelay $0x3  }
0x33: {  	p0 =	seq.s32 s10, $0x1;
	s10 =	sld [smem:$0x3FB8];
	_ =	sdelay $0x3  }
0x34: {  	[smem:$0x3FB8] =	sst s10  }
0x35: {  	s10 =	sld [smem:$0x3FB7];
	_ =	sdelay $0x3  }
0x36: {  	p1 =	seq.s32 s10, $0x1;
	s10 =	sld [smem:$0x3FB8];
	_ =	sdelay $0x3  }
0x37: {  	[smem:$0x3FB8] =	sst s10  }
0x38: {  	s10 =	sld [smem:$0x3FB9]  }
0x39: {  	_ = 	snop;
	(pc) =	sbr.ind lr, $3  }
0x3a: {  	_ = 	snop  }
0x3b: {  	_ = 	snop  }
0x3c: {  	p2 =	seq.s32 s10, $0x1;
	s10 =	sld [smem:$0x3FB8]  }
0x3d: {  	_ =	shalt  }
0x3e: {  	_ =	shalt  }
0x3f: {  	_ =	shalt  }
0x40: {  	_ =	shalt  }
0x41: {  	_ =	shalt  }
0x42: {  	_ =	shalt  }
0x43: {  	_ =	shalt  }
0x44: {  	_ =	shalt  }
0x45: {  	_ =	shalt  }
0x46: {  	_ =	shalt  }
0x47: {  	_ =	shalt  }
0x48: {  	_ =	shalt  }
0x49: {  	_ =	shalt  }
0x4a: {  	_ =	shalt  }
0x4b: {  	_ =	shalt  }
0x4c: {  	_ =	shalt  }
0x4d: {  	_ =	shalt  }
0x4e: {  	_ =	shalt  }
0x4f: {  	_ =	shalt  }
0x50: {  	_ =	shalt  }
0x51: {  	_ =	shalt  }
0x52: {  	_ =	shalt  }
0x53: {  	_ =	shalt  }
0x54: {  	_ =	shalt  }
0x55: {  	_ =	shalt  }
0x56: {  	_ =	shalt  }
0x57: {  	_ =	shalt  }
0x58: {  	_ =	shalt  }
0x59: {  	_ =	shalt  }
0x5a: {  	_ =	shalt  }
0x5b: {  	_ =	shalt  }
0x5c: {  	_ =	shalt  }
0x5d: {  	_ =	shalt  }
0x5e: {  	_ =	shalt  }
0x5f: {  	_ =	shalt  }
0x60: {  	_ =	shalt  }
0x61: {  	_ =	shalt  }
0x62: {  	_ =	shalt  }
0x63: {  	_ =	shalt  }
0x64: {  	_ =	shalt  }
0x65: {  	_ =	shalt  }
0x66: {  	_ =	shalt  }
0x67: {  	_ =	shalt  }
0x68: {  	_ =	shalt  }
0x69: {  	_ =	shalt  }
0x6a: {  	_ =	shalt  }
0x6b: {  	_ =	shalt  }
0x6c: {  	_ =	shalt  }
0x6d: {  	_ =	shalt  }
0x6e: {  	_ =	shalt  }
0x6f: {  	_ =	shalt  }
0x70: {  	_ =	shalt  }
0x71: {  	_ =	shalt  }
0x72: {  	_ =	shalt  }
0x73: {  	_ =	shalt  }
0x74: {  	_ =	shalt  }
0x75: {  	_ =	shalt  }
0x76: {  	_ =	shalt  }
0x77: {  	_ =	shalt  }
0x78: {  	_ =	shalt  }
0x79: {  	_ =	shalt  }
0x7a: {  	_ =	shalt  }
0x7b: {  	_ =	shalt  }
0x7c: {  	_ =	shalt  }
0x7d: {  	_ =	shalt  }
0x7e: {  	_ =	shalt  }
0x7f: {  	_ =	shalt  }
0x80: {  	_ =	shalt  }
0x81: {  	_ =	shalt  }
0x82: {  	_ =	shalt  }
0x83: {  	_ =	shalt  }
0x84: {  	_ =	shalt  }
0x85: {  	_ =	shalt  }
0x86: {  	_ =	shalt  }
0x87: {  	_ =	shalt  }
.Lfunc_end0:
.L_simem_size_0:
called_computation_lowered:
.L_overlay_start_0:
0x88: {  	s2 =	sld [smem:$0x3FD9]  }
0x89: {  	s3 =	sld [smem:$0x3FFE];
	_ =	sdelay $0x1  }
0x8a: {  	s1 =	srdreg.scid  }
0x8b: {  	s0 =	sand.u32 $0x1, s1  }
0x8c: {  	s18 =	sshll.u32 s0, $0xA;
	s2 =	sadd.s32 s3, s2  }
0x8d: {  	s2 =	sadd.s32 s2, s18  }
0x8e: {  	[smem:$0x3FC4] =	sst s2  }
0x8f: {  	_ = 	snop  }
0x90: {  	s2 =	sld [smem:$0x3FC9]  }
0x91: {  	s19 =	sld [smem:$0x3FC8]  }
0x92: {  	s4 =	sld [smem:$0x3FC7]  }
0x93: {  	s5 =	sld [smem:$0x3FC6]  }
0x94: {  	s6 =	sld [smem:$0x3FD0];
	(tm) =	ssettm $0x1  }
0x95: {  	s7 =	sld [smem:$0x3FFB];
	_ =	sdelay $0x3  }
0x96: {  	_ =	strace s7  }
0x97: {  	s7 =	sld [smem:$0x3FFC];
	_ =	sdelay $0x3  }
0x98: {  	_ =	strace s7  }
0x99: {  	s7 =	sld [smem:$0x3FFD];
	_ =	sdelay $0x3  }
0x9a: {  	_ =	strace s7  }
0x9b: {  	_ =	strace $0x8FFFFFFF  }
0x9c: {  	s20 =	sld [smem:$0x3FDB];
	_ =	sdelay $0x1  }
0x9d: {  	s8 =	simm.s32 $_scs_section_size  }
0x9e: {  	s9 =	simm.s32 $_size__tile_overlayer_lowered;
	s10 =	simm.s32 $_tile_overlayer_lowered  }
0x9f: {  	s23 =	simm.s32 $0x1BFF;
	s22 =	sshll.u32 s10, $0x1;
	s7 =	sadd.s32 s8, s20  }
0xa0: {  	s11 =	simm.s32 $0x0;
	s21 =	sshll.u32 s9, $0x1;
	s9 =	sadd.s32 s22, s7  }
0xa1: {  	[timem:s11], [sflag:s23] =	dma.local [hbm:s9], s21  }
0xa2: {  	_ =	swait.ge [sflag:s23], s21  }
0xa3: {  	s8 =	ssub.s32 $0x0, s21;
	[sflag:s23] =	ssyncset.done $0x0  }
0xa4: {  	[sflag:s23] =	ssyncadd.s32 s8;
	_ =	sdelay $0x1  }
0xa5: {  	s24 =	simm.s32 $0x1B8B  }
0xa6: {  	_ =	swait.ge [sflag:s24], $0x1  }
0xa7: {  	[sflag:s24] =	ssyncset.done $0x0  }
0xa8: {  	s25 =	simm.s32 $0x1B8E;
	[sflag:s24] =	ssyncadd.s32 $0xFFFFFFFF  }
0xa9: {  	s26 =	simm.s32 $execute0_lowered;
	[smem:$0x3FD2] =	sst s25  }
0xaa: {  	s8 =	sshll.u32 s26, $0x1;
	_ =	strace $0x80000046;
	[dreg:$0x1] =	wrdreg $0xFFFFFFFF  }
0xab: {  	s28 =	simm.s32 $_size_execute0_lowered;
	s7 =	sadd.s32 s7, s8;
	[dreg:$0x0] =	wrdreg $0x0  }
0xac: {  	s8 =	sshll.u32 s28, $0x1;
	[dreg:$0x2] =	wrdreg s7  }
0xad: {  	[dreg:$0x3] =	wrdreg s8  }
0xae: {  	[dreg:$0x4] =	wrdreg $0xC0  }
0xaf: {  	_ =	task [dreg:s11], $0x5FFFF  }
0xb0: {  	[dreg:$0x1] =	wrdreg $0xFFFFFFFF  }
0xb1: {  	[dreg:$0x0] =	wrdreg $0x60  }
0xb2: {  	[dreg:$0x2] =	wrdreg s2  }
0xb3: {  	[dreg:$0x3] =	wrdreg s19  }
0xb4: {  	[dreg:$0x4] =	wrdreg s4  }
0xb5: {  	[dreg:$0x5] =	wrdreg s5  }
0xb6: {  	[dreg:$0x6] =	wrdreg s6  }
0xb7: {  	[dreg:$0x7] =	wrdreg $0x9  }
0xb8: {  	_ =	task.clear_ibuf [dreg:s11], $0x8FFFF;
	_ =	strace $0x90000046  }
0xb9: {  	s29 =	simm.s32 $0x9;
	_ =	strace $0x80000048  }
0xba: {  	_ =	swait.ge [sflag:s29], $0x1  }
0xbb: {  	[sflag:s29] =	ssyncadd.s32 $0xFFFFFFFF  }
0xbc: {  	_ =	strace $0x90000048  }
0xbd: {  	_ =	sfence  }
0xbe: {  	s30 =	sld [smem:$0x0];
	_ =	sdelay $0x2  }
0xbf: {  	s31 =	sshll.u32 s1, $0xD;
	s1 =	sshrl.u32 s1, $0x2  }
0xc0: {  	s3 =	sand.u32 $0x4000, s31;
	s1 =	sadd.s32 s1, s30  }
0xc1: {  	s0 =	sor.u32 s3, s0;
	s1 =	sshll.u32 s1, $0x11  }
0xc2: {  	s0 =	sor.u32 s1, s0  }
0xc3: {  	s0 =	sadd.s32 $0x8F2B, s0  }
0xc4: {  	[sflag:s0] =	ssyncadd.remote.s32 $0x1  }
0xc5: {  	_ =	sfence.sel $0xFFFF  }
0xc6: {  	[dreg:$0x0] =	wrdreg $0xFFFFFFFF;
	(pc) =	sbr.abs _section_cstart, $3  }
0xc7: {  	[dreg:$0x1] =	wrdreg $0xFFFFFFFF  }
0xc8: {  	_ =	task.clear_ibuf [dreg:s11], $0x2FFFF;
	_ =	strace $0x9FFFFFFF  }
0xc9: {  	(tm) =	ssettm $0x7FFFFFFF  }
tec
execute0_lowered:
.L_overlay_start_1:
0x0: {  	(tag) =	ssettag $0x1  }
0x1: {  	v0 =	vlaneseq.u32  }
0x2: {  	v0 =	vmul.u32 $0x3, v0;
	_ =	sdelay $0x1  }
0x3: {  	v1 =	vadd.s32 $0x1, v0;
	v4 =	vadd.s32 $0x31, v0;
	v5 =	vadd.s32 $0x32, v0  }
0x4: {  	v6 =	vadd.s32 $0x60, v0;
	v7 =	vadd.s32 $0x61, v0;
	v8 =	vadd.s32 $0x62, v0  }
0x5: {  	v9 =	vadd.s32 $0x90, v0;
	v10 =	vadd.s32 $0x91, v0;
	v11 =	vadd.s32 $0x92, v0  }
0x6: {  	v12 =	vor.u32 $0xC0, v0;
	v13 =	vadd.s32 $0xC1, v0;
	v14 =	vadd.s32 $0xC2, v0  }
0x7: {  	v15 =	vadd.s32 $0xF0, v0;
	v16 =	vadd.s32 $0xF1, v0;
	v17 =	vadd.s32 $0xF2, v0  }
0x8: {  	v18 =	vadd.s32 $0x120, v0;
	v19 =	vadd.s32 $0x121, v0;
	v20 =	vadd.s32 $0x122, v0  }
0x9: {  	v21 =	vadd.s32 $0x150, v0;
	v22 =	vadd.s32 $0x151, v0;
	v23 =	vadd.s32 $0x152, v0  }
0xa: {  	v24 =	vor.u32 $0x180, v0;
	v25 =	vadd.s32 $0x181, v0;
	v26 =	vadd.s32 $0x182, v0  }
0xb: {  	v27 =	vadd.s32 $0x1B0, v0;
	v28 =	vadd.s32 $0x1B1, v0;
	v29 =	vadd.s32 $0x1B2, v0  }
0xc: {  	s0 =	rddreg [dreg:$0x0];
	v30 =	vadd.s32 $0x1E0, v0;
	v31 =	vadd.s32 $0x1E1, v0;
	v32 =	vadd.s32 $0x1E2, v0  }
0xd: {  	s1 =	rddreg [dreg:$0x1];
	v33 =	vadd.s32 $0x210, v0;
	v34 =	vadd.s32 $0x211, v0;
	v35 =	vadd.s32 $0x212, v0  }
0xe: {  	s2 =	rddreg [dreg:$0x2];
	v36 =	vor.u32 $0x240, v0;
	v37 =	vadd.s32 $0x241, v0;
	v38 =	vadd.s32 $0x242, v0  }
0xf: {  	s6 =	rddreg [dreg:$0x3];
	v39 =	vadd.s32 $0x270, v0;
	v40 =	vadd.s32 $0x271, v0;
	v41 =	vadd.s32 $0x272, v0  }
0x10: {  	s4 =	srdreg.scid;
	s3 =	stileid.u32;
	v42 =	vadd.s32 $0x2A0, v0;
	v43 =	vadd.s32 $0x2A1, v0;
	v44 =	vadd.s32 $0x2A2, v0  }
0x11: {  	s7 =	rddreg [dreg:$0x4];
	s5 =	simm.s32 $0x0;
	s12 =	simm.s32 $0xC000;
	v45 =	vadd.s32 $0x2D0, v0;
	v46 =	vadd.s32 $0x2D1, v0;
	v47 =	vadd.s32 $0x2D2, v0  }
0x12: {  	s13 =	simm.s32 $0xC400;
	s8 =	sand.u32 $0x1, s4;
	s9 =	sshll.u32 s3, $0x1;
	v48 =	vor.u32 $0x300, v0;
	v49 =	vadd.s32 $0x301, v0;
	v50 =	vadd.s32 $0x302, v0  }
0x13: {  	s4 =	rddreg [dreg:$0x5];
	s9 =	sor.u32 s8, s9;
	s8 =	ssub.s32 $0x2, s8;
	v51 =	vadd.s32 $0x330, v0;
	v52 =	vadd.s32 $0x331, v0;
	v53 =	vadd.s32 $0x332, v0  }
0x14: {  	s10 =	smul.u32 $0x180, s9;
	s11 =	sshrl.u32 s8, $0x1;
	s9 =	sshll.u32 s9, $0x7;
	v54 =	vadd.s32 $0x360, v0;
	v55 =	vadd.s32 $0x361, v0;
	[tilespmem:$0x1FFD0] =	vst v1;
	v1 =	vadd.s32 $0x2, v0  }
0x15: {  	[smem:$0x7FF] =	sst s5;
	v56 =	vadd.s32 $0x362, v0;
	v57 =	vadd.s32 $0x390, v0;
	s8 =	ssub.s32 s8, s11;
	s6 =	sadd.s32 s6, s9;
	[tilespmem:$0x1FFE0] =	vst v1;
	v1 =	vadd.s32 $0x30, v0  }
0x16: {  	v58 =	vadd.s32 $0x391, v0;
	v59 =	vadd.s32 $0x392, v0;
	v60 =	vor.u32 $0x3C0, v0;
	s9 =	simm.s32 $0x1;
	s11 =	simm.s32 $0x8000;
	s7 =	sadd.s32 s7, s10;
	[tilespmem:$0x1FFF0] =	vst v1  }
0x17: {  	v61 =	vadd.s32 $0x3C1, v0;
	v62 =	vadd.s32 $0x3C2, v0;
	v63 =	vadd.s32 $0x3F0, v0;
	s8 =	smax.u32 s8, $0x1;
	s10 =	simm.s32 $0x4000;
	_ =	strace $0x80000047  }
.LBB2_1:
0x18: {  	[tilespmem:s5], [sflag:$0x1] =	stream.linear.gather [hbm4b:s0+s5], $0x4000, $0x38;
	[tilespmem:$0xD000] =	vst v63  }
0x19: {  	_ =	swait.ge [sflag:s9], $0x4000  }
0x1a: {  	[sflag:s9] =	ssyncset.done $0x0  }
0x1b: {  	[sflag:s9] =	ssyncadd.s32 $0xFFFFC000  }
0x1c: {  	[tilespmem:s10], [sflag:$0x1] =	stream.linear.gather [hbm4b:s1+s5], $0x4000, $0x38;
	[tilespmem:$0xD000] =	vst v63  }
0x1d: {  	_ =	swait.ge [sflag:s9], $0x4000  }
0x1e: {  	[sflag:s9] =	ssyncset.done $0x0  }
0x1f: {  	[sflag:s9] =	ssyncadd.s32 $0xFFFFC000  }
0x20: {  	[tilespmem:s11], [sflag:$0x1] =	stream.linear.gather [hbm4b:s2+s5], $0x4000, $0x38;
	[tilespmem:$0xD000] =	vst v63  }
0x21: {  	_ =	swait.ge [sflag:s9], $0x4000  }
0x22: {  	[sflag:s9] =	ssyncset.done $0x0  }
0x23: {  	[sflag:s9] =	ssyncadd.s32 $0xFFFFC000  }
0x24: {  	[tilespmem:s12], [sflag:$0x1] =	stream.linear.gather [hbm4b:s6+s5], $0x400, $0x38;
	[tilespmem:$0xD000] =	vst v63  }
0x25: {  	_ =	swait.ge [sflag:s9], $0x400  }
0x26: {  	[sflag:s9] =	ssyncset.done $0x0  }
0x27: {  	[sflag:s9] =	ssyncadd.s32 $0xFFFFFC00  }
0x28: {  	v1 =	vld [tilespmem:$0xC000];
	_ =	sdelay $0x7  }
0x29: {  	v2 =	vld.idx.msk [tilespmem:v1+s5+$0x0], $0xffff;
	_ =	sdelay $0x2  }
0x2a: {  	v3 =	vld [tilespmem:$0x1FFD0];
	_ =	sdelay $0x1  }
0x2b: {  	[tilespmem:v0+s13+$0x0] =	vst.idx.msk $0xffff, v2  }
0x2c: {  	v2 =	vld.idx.msk [tilespmem:v1+s10+$0x0], $0xffff;
	_ =	sdelay $0x4  }
0x2d: {  	[tilespmem:v3+s13+$0x0] =	vst.idx.msk $0xffff, v2;
	v2 =	vld [tilespmem:$0x1FFE0];
	_ =	sdelay $0x2  }
0x2e: {  	v1 =	vld.idx.msk [tilespmem:v1+s11+$0x0], $0xffff;
	_ =	sdelay $0x4  }
0x2f: {  	[tilespmem:v2+s13+$0x0] =	vst.idx.msk $0xffff, v1  }
0x30: {  	v1 =	vld [tilespmem:$0xC010];
	_ =	sdelay $0x4  }
0x31: {  	v3 =	vld [tilespmem:$0x1FFF0];
	_ =	sdelay $0x2  }
0x32: {  	v2 =	vld.idx.msk [tilespmem:v1+s5+$0x0], $0xffff;
	_ =	sdelay $0x4  }
0x33: {  	[tilespmem:v3+s13+$0x0] =	vst.idx.msk $0xffff, v2  }
0x34: {  	v2 =	vld.idx.msk [tilespmem:v1+s10+$0x0], $0xffff;
	_ =	sdelay $0x4  }
0x35: {  	[tilespmem:v4+s13+$0x0] =	vst.idx.msk $0xffff, v2  }
0x36: {  	v1 =	vld.idx.msk [tilespmem:v1+s11+$0x0], $0xffff;
	_ =	sdelay $0x4  }
0x37: {  	[tilespmem:v5+s13+$0x0] =	vst.idx.msk $0xffff, v1  }
0x38: {  	v1 =	vld [tilespmem:$0xC020];
	_ =	sdelay $0x7  }
0x39: {  	v2 =	vld.idx.msk [tilespmem:v1+s5+$0x0], $0xffff;
	_ =	sdelay $0x4  }
0x3a: {  	[tilespmem:v6+s13+$0x0] =	vst.idx.msk $0xffff, v2  }
0x3b: {  	v2 =	vld.idx.msk [tilespmem:v1+s10+$0x0], $0xffff;
	_ =	sdelay $0x4  }
0x3c: {  	[tilespmem:v7+s13+$0x0] =	vst.idx.msk $0xffff, v2  }
0x3d: {  	v1 =	vld.idx.msk [tilespmem:v1+s11+$0x0], $0xffff;
	_ =	sdelay $0x4  }
0x3e: {  	[tilespmem:v8+s13+$0x0] =	vst.idx.msk $0xffff, v1  }
0x3f: {  	v1 =	vld [tilespmem:$0xC030];
	_ =	sdelay $0x7  }
0x40: {  	v2 =	vld.idx.msk [tilespmem:v1+s5+$0x0], $0xffff;
	_ =	sdelay $0x4  }
0x41: {  	[tilespmem:v9+s13+$0x0] =	vst.idx.msk $0xffff, v2  }
0x42: {  	v2 =	vld.idx.msk [tilespmem:v1+s10+$0x0], $0xffff;
	_ =	sdelay $0x4  }
0x43: {  	[tilespmem:v10+s13+$0x0] =	vst.idx.msk $0xffff, v2  }
0x44: {  	v1 =	vld.idx.msk [tilespmem:v1+s11+$0x0], $0xffff;
	_ =	sdelay $0x4  }
0x45: {  	[tilespmem:v11+s13+$0x0] =	vst.idx.msk $0xffff, v1  }
0x46: {  	v1 =	vld [tilespmem:$0xC040];
	_ =	sdelay $0x7  }
0x47: {  	v2 =	vld.idx.msk [tilespmem:v1+s5+$0x0], $0xffff;
	_ =	sdelay $0x4  }
0x48: {  	[tilespmem:v12+s13+$0x0] =	vst.idx.msk $0xffff, v2  }
0x49: {  	v2 =	vld.idx.msk [tilespmem:v1+s10+$0x0], $0xffff;
	_ =	sdelay $0x4  }
0x4a: {  	[tilespmem:v13+s13+$0x0] =	vst.idx.msk $0xffff, v2  }
0x4b: {  	v1 =	vld.idx.msk [tilespmem:v1+s11+$0x0], $0xffff;
	_ =	sdelay $0x4  }
0x4c: {  	[tilespmem:v14+s13+$0x0] =	vst.idx.msk $0xffff, v1  }
0x4d: {  	v1 =	vld [tilespmem:$0xC050];
	_ =	sdelay $0x7  }
0x4e: {  	v2 =	vld.idx.msk [tilespmem:v1+s5+$0x0], $0xffff;
	_ =	sdelay $0x4  }
0x4f: {  	[tilespmem:v15+s13+$0x0] =	vst.idx.msk $0xffff, v2  }
0x50: {  	v2 =	vld.idx.msk [tilespmem:v1+s10+$0x0], $0xffff;
	_ =	sdelay $0x4  }
0x51: {  	[tilespmem:v16+s13+$0x0] =	vst.idx.msk $0xffff, v2  }
0x52: {  	v1 =	vld.idx.msk [tilespmem:v1+s11+$0x0], $0xffff;
	_ =	sdelay $0x4  }
0x53: {  	[tilespmem:v17+s13+$0x0] =	vst.idx.msk $0xffff, v1  }
0x54: {  	v1 =	vld [tilespmem:$0xC060];
	_ =	sdelay $0x7  }
0x55: {  	v2 =	vld.idx.msk [tilespmem:v1+s5+$0x0], $0xffff;
	_ =	sdelay $0x4  }
0x56: {  	[tilespmem:v18+s13+$0x0] =	vst.idx.msk $0xffff, v2  }
0x57: {  	v2 =	vld.idx.msk [tilespmem:v1+s10+$0x0], $0xffff;
	_ =	sdelay $0x4  }
0x58: {  	[tilespmem:v19+s13+$0x0] =	vst.idx.msk $0xffff, v2  }
0x59: {  	v1 =	vld.idx.msk [tilespmem:v1+s11+$0x0], $0xffff;
	_ =	sdelay $0x4  }
0x5a: {  	[tilespmem:v20+s13+$0x0] =	vst.idx.msk $0xffff, v1  }
0x5b: {  	v1 =	vld [tilespmem:$0xC070];
	_ =	sdelay $0x7  }
0x5c: {  	v2 =	vld.idx.msk [tilespmem:v1+s5+$0x0], $0xffff;
	_ =	sdelay $0x4  }
0x5d: {  	[tilespmem:v21+s13+$0x0] =	vst.idx.msk $0xffff, v2  }
0x5e: {  	v2 =	vld.idx.msk [tilespmem:v1+s10+$0x0], $0xffff;
	_ =	sdelay $0x4  }
0x5f: {  	[tilespmem:v22+s13+$0x0] =	vst.idx.msk $0xffff, v2  }
0x60: {  	v1 =	vld.idx.msk [tilespmem:v1+s11+$0x0], $0xffff;
	_ =	sdelay $0x4  }
0x61: {  	[tilespmem:v23+s13+$0x0] =	vst.idx.msk $0xffff, v1  }
0x62: {  	v1 =	vld [tilespmem:$0xC080];
	_ =	sdelay $0x7  }
0x63: {  	v2 =	vld.idx.msk [tilespmem:v1+s5+$0x0], $0xffff;
	_ =	sdelay $0x4  }
0x64: {  	[tilespmem:v24+s13+$0x0] =	vst.idx.msk $0xffff, v2  }
0x65: {  	v2 =	vld.idx.msk [tilespmem:v1+s10+$0x0], $0xffff;
	_ =	sdelay $0x4  }
0x66: {  	[tilespmem:v25+s13+$0x0] =	vst.idx.msk $0xffff, v2  }
0x67: {  	v1 =	vld.idx.msk [tilespmem:v1+s11+$0x0], $0xffff;
	_ =	sdelay $0x4  }
0x68: {  	[tilespmem:v26+s13+$0x0] =	vst.idx.msk $0xffff, v1  }
0x69: {  	v1 =	vld [tilespmem:$0xC090];
	_ =	sdelay $0x7  }
0x6a: {  	v2 =	vld.idx.msk [tilespmem:v1+s5+$0x0], $0xffff;
	_ =	sdelay $0x4  }
0x6b: {  	[tilespmem:v27+s13+$0x0] =	vst.idx.msk $0xffff, v2  }
0x6c: {  	v2 =	vld.idx.msk [tilespmem:v1+s10+$0x0], $0xffff;
	_ =	sdelay $0x4  }
0x6d: {  	[tilespmem:v28+s13+$0x0] =	vst.idx.msk $0xffff, v2  }
0x6e: {  	v1 =	vld.idx.msk [tilespmem:v1+s11+$0x0], $0xffff;
	_ =	sdelay $0x4  }
0x6f: {  	[tilespmem:v29+s13+$0x0] =	vst.idx.msk $0xffff, v1  }
0x70: {  	v1 =	vld [tilespmem:$0xC0A0];
	_ =	sdelay $0x7  }
0x71: {  	v2 =	vld.idx.msk [tilespmem:v1+s5+$0x0], $0xffff;
	_ =	sdelay $0x4  }
0x72: {  	[tilespmem:v30+s13+$0x0] =	vst.idx.msk $0xffff, v2  }
0x73: {  	v2 =	vld.idx.msk [tilespmem:v1+s10+$0x0], $0xffff;
	_ =	sdelay $0x4  }
0x74: {  	[tilespmem:v31+s13+$0x0] =	vst.idx.msk $0xffff, v2  }
0x75: {  	v1 =	vld.idx.msk [tilespmem:v1+s11+$0x0], $0xffff;
	_ =	sdelay $0x4  }
0x76: {  	[tilespmem:v32+s13+$0x0] =	vst.idx.msk $0xffff, v1  }
0x77: {  	v1 =	vld [tilespmem:$0xC0B0];
	_ =	sdelay $0x7  }
0x78: {  	v2 =	vld.idx.msk [tilespmem:v1+s5+$0x0], $0xffff;
	_ =	sdelay $0x4  }
0x79: {  	[tilespmem:v33+s13+$0x0] =	vst.idx.msk $0xffff, v2  }
0x7a: {  	v2 =	vld.idx.msk [tilespmem:v1+s10+$0x0], $0xffff;
	_ =	sdelay $0x4  }
0x7b: {  	[tilespmem:v34+s13+$0x0] =	vst.idx.msk $0xffff, v2  }
0x7c: {  	v1 =	vld.idx.msk [tilespmem:v1+s11+$0x0], $0xffff;
	_ =	sdelay $0x4  }
0x7d: {  	[tilespmem:v35+s13+$0x0] =	vst.idx.msk $0xffff, v1  }
0x7e: {  	v1 =	vld [tilespmem:$0xC0C0];
	_ =	sdelay $0x7  }
0x7f: {  	v2 =	vld.idx.msk [tilespmem:v1+s5+$0x0], $0xffff;
	_ =	sdelay $0x4  }
0x80: {  	[tilespmem:v36+s13+$0x0] =	vst.idx.msk $0xffff, v2  }
0x81: {  	v2 =	vld.idx.msk [tilespmem:v1+s10+$0x0], $0xffff;
	_ =	sdelay $0x4  }
0x82: {  	[tilespmem:v37+s13+$0x0] =	vst.idx.msk $0xffff, v2  }
0x83: {  	v1 =	vld.idx.msk [tilespmem:v1+s11+$0x0], $0xffff;
	_ =	sdelay $0x4  }
0x84: {  	[tilespmem:v38+s13+$0x0] =	vst.idx.msk $0xffff, v1  }
0x85: {  	v1 =	vld [tilespmem:$0xC0D0];
	_ =	sdelay $0x7  }
0x86: {  	v2 =	vld.idx.msk [tilespmem:v1+s5+$0x0], $0xffff;
	_ =	sdelay $0x4  }
0x87: {  	[tilespmem:v39+s13+$0x0] =	vst.idx.msk $0xffff, v2  }
0x88: {  	v2 =	vld.idx.msk [tilespmem:v1+s10+$0x0], $0xffff;
	_ =	sdelay $0x4  }
0x89: {  	[tilespmem:v40+s13+$0x0] =	vst.idx.msk $0xffff, v2  }
0x8a: {  	v1 =	vld.idx.msk [tilespmem:v1+s11+$0x0], $0xffff;
	_ =	sdelay $0x4  }
0x8b: {  	[tilespmem:v41+s13+$0x0] =	vst.idx.msk $0xffff, v1  }
0x8c: {  	v1 =	vld [tilespmem:$0xC0E0];
	_ =	sdelay $0x7  }
0x8d: {  	v2 =	vld.idx.msk [tilespmem:v1+s5+$0x0], $0xffff;
	_ =	sdelay $0x4  }
0x8e: {  	[tilespmem:v42+s13+$0x0] =	vst.idx.msk $0xffff, v2  }
0x8f: {  	v2 =	vld.idx.msk [tilespmem:v1+s10+$0x0], $0xffff;
	_ =	sdelay $0x4  }
0x90: {  	[tilespmem:v43+s13+$0x0] =	vst.idx.msk $0xffff, v2  }
0x91: {  	v1 =	vld.idx.msk [tilespmem:v1+s11+$0x0], $0xffff;
	_ =	sdelay $0x4  }
0x92: {  	[tilespmem:v44+s13+$0x0] =	vst.idx.msk $0xffff, v1  }
0x93: {  	v1 =	vld [tilespmem:$0xC0F0];
	_ =	sdelay $0x7  }
0x94: {  	v2 =	vld.idx.msk [tilespmem:v1+s5+$0x0], $0xffff;
	_ =	sdelay $0x4  }
0x95: {  	[tilespmem:v45+s13+$0x0] =	vst.idx.msk $0xffff, v2  }
0x96: {  	v2 =	vld.idx.msk [tilespmem:v1+s10+$0x0], $0xffff;
	_ =	sdelay $0x4  }
0x97: {  	[tilespmem:v46+s13+$0x0] =	vst.idx.msk $0xffff, v2  }
0x98: {  	v1 =	vld.idx.msk [tilespmem:v1+s11+$0x0], $0xffff;
	_ =	sdelay $0x4  }
0x99: {  	[tilespmem:v47+s13+$0x0] =	vst.idx.msk $0xffff, v1  }
0x9a: {  	v1 =	vld [tilespmem:$0xC100];
	_ =	sdelay $0x7  }
0x9b: {  	v2 =	vld.idx.msk [tilespmem:v1+s5+$0x0], $0xffff;
	_ =	sdelay $0x4  }
0x9c: {  	[tilespmem:v48+s13+$0x0] =	vst.idx.msk $0xffff, v2  }
0x9d: {  	v2 =	vld.idx.msk [tilespmem:v1+s10+$0x0], $0xffff;
	_ =	sdelay $0x4  }
0x9e: {  	[tilespmem:v49+s13+$0x0] =	vst.idx.msk $0xffff, v2  }
0x9f: {  	v1 =	vld.idx.msk [tilespmem:v1+s11+$0x0], $0xffff;
	_ =	sdelay $0x4  }
0xa0: {  	[tilespmem:v50+s13+$0x0] =	vst.idx.msk $0xffff, v1  }
0xa1: {  	v1 =	vld [tilespmem:$0xC110];
	_ =	sdelay $0x7  }
0xa2: {  	v2 =	vld.idx.msk [tilespmem:v1+s5+$0x0], $0xffff;
	_ =	sdelay $0x4  }
0xa3: {  	[tilespmem:v51+s13+$0x0] =	vst.idx.msk $0xffff, v2  }
0xa4: {  	v2 =	vld.idx.msk [tilespmem:v1+s10+$0x0], $0xffff;
	_ =	sdelay $0x4  }
0xa5: {  	[tilespmem:v52+s13+$0x0] =	vst.idx.msk $0xffff, v2  }
0xa6: {  	v1 =	vld.idx.msk [tilespmem:v1+s11+$0x0], $0xffff;
	_ =	sdelay $0x4  }
0xa7: {  	[tilespmem:v53+s13+$0x0] =	vst.idx.msk $0xffff, v1  }
0xa8: {  	v1 =	vld [tilespmem:$0xC120];
	_ =	sdelay $0x7  }
0xa9: {  	v2 =	vld.idx.msk [tilespmem:v1+s5+$0x0], $0xffff;
	_ =	sdelay $0x4  }
0xaa: {  	[tilespmem:v54+s13+$0x0] =	vst.idx.msk $0xffff, v2  }
0xab: {  	v2 =	vld.idx.msk [tilespmem:v1+s10+$0x0], $0xffff;
	_ =	sdelay $0x4  }
0xac: {  	[tilespmem:v55+s13+$0x0] =	vst.idx.msk $0xffff, v2  }
0xad: {  	v1 =	vld.idx.msk [tilespmem:v1+s11+$0x0], $0xffff;
	_ =	sdelay $0x4  }
0xae: {  	[tilespmem:v56+s13+$0x0] =	vst.idx.msk $0xffff, v1  }
0xaf: {  	v1 =	vld [tilespmem:$0xC130];
	_ =	sdelay $0x7  }
0xb0: {  	v2 =	vld.idx.msk [tilespmem:v1+s5+$0x0], $0xffff;
	_ =	sdelay $0x4  }
0xb1: {  	[tilespmem:v57+s13+$0x0] =	vst.idx.msk $0xffff, v2  }
0xb2: {  	v2 =	vld.idx.msk [tilespmem:v1+s10+$0x0], $0xffff;
	_ =	sdelay $0x4  }
0xb3: {  	[tilespmem:v58+s13+$0x0] =	vst.idx.msk $0xffff, v2  }
0xb4: {  	v1 =	vld.idx.msk [tilespmem:v1+s11+$0x0], $0xffff;
	_ =	sdelay $0x4  }
0xb5: {  	[tilespmem:v59+s13+$0x0] =	vst.idx.msk $0xffff, v1  }
0xb6: {  	v1 =	vld [tilespmem:$0xC140];
	_ =	sdelay $0x7  }
0xb7: {  	v2 =	vld.idx.msk [tilespmem:v1+s5+$0x0], $0xffff;
	_ =	sdelay $0x4  }
0xb8: {  	[tilespmem:v60+s13+$0x0] =	vst.idx.msk $0xffff, v2  }
0xb9: {  	v2 =	vld.idx.msk [tilespmem:v1+s10+$0x0], $0xffff;
	_ =	sdelay $0x4  }
0xba: {  	[tilespmem:v61+s13+$0x0] =	vst.idx.msk $0xffff, v2  }
0xbb: {  	v1 =	vld.idx.msk [tilespmem:v1+s11+$0x0], $0xffff;
	_ =	sdelay $0x4  }
0xbc: {  	[tilespmem:v62+s13+$0x0] =	vst.idx.msk $0xffff, v1  }
0xbd: {  	v1 =	vld [tilespmem:$0xC150];
	_ =	sdelay $0x7  }
0xbe: {  	v2 =	vld.idx.msk [tilespmem:v1+s5+$0x0], $0xffff;
	_ =	sdelay $0x4  }
0xbf: {  	[tilespmem:v63+s13+$0x0] =	vst.idx.msk $0xffff, v2  }
0xc0: {  	v3 =	vadd.s32 $0x3F1, v0;
	v2 =	vld.idx.msk [tilespmem:v1+s10+$0x0], $0xffff;
	_ =	sdelay $0x4  }
0xc1: {  	[tilespmem:v3+s13+$0x0] =	vst.idx.msk $0xffff, v2  }
0xc2: {  	v2 =	vadd.s32 $0x3F2, v0;
	v1 =	vld.idx.msk [tilespmem:v1+s11+$0x0], $0xffff;
	_ =	sdelay $0x4  }
0xc3: {  	[tilespmem:v2+s13+$0x0] =	vst.idx.msk $0xffff, v1  }
0xc4: {  	v1 =	vld [tilespmem:$0xC160];
	_ =	sdelay $0x7  }
0xc5: {  	v3 =	vadd.s32 $0x420, v0;
	v2 =	vld.idx.msk [tilespmem:v1+s5+$0x0], $0xffff;
	_ =	sdelay $0x4  }
0xc6: {  	[tilespmem:v3+s13+$0x0] =	vst.idx.msk $0xffff, v2  }
0xc7: {  	v3 =	vadd.s32 $0x421, v0;
	v2 =	vld.idx.msk [tilespmem:v1+s10+$0x0], $0xffff;
	_ =	sdelay $0x4  }
0xc8: {  	[tilespmem:v3+s13+$0x0] =	vst.idx.msk $0xffff, v2  }
0xc9: {  	v2 =	vadd.s32 $0x422, v0;
	v1 =	vld.idx.msk [tilespmem:v1+s11+$0x0], $0xffff;
	_ =	sdelay $0x4  }
0xca: {  	[tilespmem:v2+s13+$0x0] =	vst.idx.msk $0xffff, v1  }
0xcb: {  	v1 =	vld [tilespmem:$0xC170];
	_ =	sdelay $0x7  }
0xcc: {  	v3 =	vadd.s32 $0x450, v0;
	v2 =	vld.idx.msk [tilespmem:v1+s5+$0x0], $0xffff;
	_ =	sdelay $0x4  }
0xcd: {  	[tilespmem:v3+s13+$0x0] =	vst.idx.msk $0xffff, v2  }
0xce: {  	v3 =	vadd.s32 $0x451, v0;
	v2 =	vld.idx.msk [tilespmem:v1+s10+$0x0], $0xffff;
	_ =	sdelay $0x4  }
0xcf: {  	[tilespmem:v3+s13+$0x0] =	vst.idx.msk $0xffff, v2  }
0xd0: {  	v2 =	vadd.s32 $0x452, v0;
	v1 =	vld.idx.msk [tilespmem:v1+s11+$0x0], $0xffff;
	_ =	sdelay $0x4  }
0xd1: {  	[tilespmem:v2+s13+$0x0] =	vst.idx.msk $0xffff, v1  }
0xd2: {  	v1 =	vld [tilespmem:$0xC180];
	_ =	sdelay $0x7  }
0xd3: {  	v3 =	vor.u32 $0x480, v0;
	v2 =	vld.idx.msk [tilespmem:v1+s5+$0x0], $0xffff;
	_ =	sdelay $0x4  }
0xd4: {  	[tilespmem:v3+s13+$0x0] =	vst.idx.msk $0xffff, v2  }
0xd5: {  	v3 =	vadd.s32 $0x481, v0;
	v2 =	vld.idx.msk [tilespmem:v1+s10+$0x0], $0xffff;
	_ =	sdelay $0x4  }
0xd6: {  	[tilespmem:v3+s13+$0x0] =	vst.idx.msk $0xffff, v2  }
0xd7: {  	v2 =	vadd.s32 $0x482, v0;
	v1 =	vld.idx.msk [tilespmem:v1+s11+$0x0], $0xffff;
	_ =	sdelay $0x4  }
0xd8: {  	[tilespmem:v2+s13+$0x0] =	vst.idx.msk $0xffff, v1  }
0xd9: {  	v1 =	vld [tilespmem:$0xC190];
	_ =	sdelay $0x7  }
0xda: {  	v3 =	vadd.s32 $0x4B0, v0;
	v2 =	vld.idx.msk [tilespmem:v1+s5+$0x0], $0xffff;
	_ =	sdelay $0x4  }
0xdb: {  	[tilespmem:v3+s13+$0x0] =	vst.idx.msk $0xffff, v2  }
0xdc: {  	v3 =	vadd.s32 $0x4B1, v0;
	v2 =	vld.idx.msk [tilespmem:v1+s10+$0x0], $0xffff;
	_ =	sdelay $0x4  }
0xdd: {  	[tilespmem:v3+s13+$0x0] =	vst.idx.msk $0xffff, v2  }
0xde: {  	v2 =	vadd.s32 $0x4B2, v0;
	v1 =	vld.idx.msk [tilespmem:v1+s11+$0x0], $0xffff;
	_ =	sdelay $0x4  }
0xdf: {  	[tilespmem:v2+s13+$0x0] =	vst.idx.msk $0xffff, v1  }
0xe0: {  	v1 =	vld [tilespmem:$0xC1A0];
	_ =	sdelay $0x7  }
0xe1: {  	v3 =	vadd.s32 $0x4E0, v0;
	v2 =	vld.idx.msk [tilespmem:v1+s5+$0x0], $0xffff;
	_ =	sdelay $0x4  }
0xe2: {  	[tilespmem:v3+s13+$0x0] =	vst.idx.msk $0xffff, v2  }
0xe3: {  	v3 =	vadd.s32 $0x4E1, v0;
	v2 =	vld.idx.msk [tilespmem:v1+s10+$0x0], $0xffff;
	_ =	sdelay $0x4  }
0xe4: {  	[tilespmem:v3+s13+$0x0] =	vst.idx.msk $0xffff, v2  }
0xe5: {  	v2 =	vadd.s32 $0x4E2, v0;
	v1 =	vld.idx.msk [tilespmem:v1+s11+$0x0], $0xffff;
	_ =	sdelay $0x4  }
0xe6: {  	[tilespmem:v2+s13+$0x0] =	vst.idx.msk $0xffff, v1  }
0xe7: {  	v1 =	vld [tilespmem:$0xC1B0];
	_ =	sdelay $0x7  }
0xe8: {  	v3 =	vadd.s32 $0x510, v0;
	v2 =	vld.idx.msk [tilespmem:v1+s5+$0x0], $0xffff;
	_ =	sdelay $0x4  }
0xe9: {  	[tilespmem:v3+s13+$0x0] =	vst.idx.msk $0xffff, v2  }
0xea: {  	v3 =	vadd.s32 $0x511, v0;
	v2 =	vld.idx.msk [tilespmem:v1+s10+$0x0], $0xffff;
	_ =	sdelay $0x4  }
0xeb: {  	[tilespmem:v3+s13+$0x0] =	vst.idx.msk $0xffff, v2  }
0xec: {  	v2 =	vadd.s32 $0x512, v0;
	v1 =	vld.idx.msk [tilespmem:v1+s11+$0x0], $0xffff;
	_ =	sdelay $0x4  }
0xed: {  	[tilespmem:v2+s13+$0x0] =	vst.idx.msk $0xffff, v1  }
0xee: {  	v1 =	vld [tilespmem:$0xC1C0];
	_ =	sdelay $0x7  }
0xef: {  	v3 =	vor.u32 $0x540, v0;
	v2 =	vld.idx.msk [tilespmem:v1+s5+$0x0], $0xffff;
	_ =	sdelay $0x4  }
0xf0: {  	[tilespmem:v3+s13+$0x0] =	vst.idx.msk $0xffff, v2  }
0xf1: {  	v3 =	vadd.s32 $0x541, v0;
	v2 =	vld.idx.msk [tilespmem:v1+s10+$0x0], $0xffff;
	_ =	sdelay $0x4  }
0xf2: {  	[tilespmem:v3+s13+$0x0] =	vst.idx.msk $0xffff, v2  }
0xf3: {  	v2 =	vadd.s32 $0x542, v0;
	v1 =	vld.idx.msk [tilespmem:v1+s11+$0x0], $0xffff;
	_ =	sdelay $0x4  }
0xf4: {  	[tilespmem:v2+s13+$0x0] =	vst.idx.msk $0xffff, v1  }
0xf5: {  	v1 =	vld [tilespmem:$0xC1D0];
	_ =	sdelay $0x7  }
0xf6: {  	v3 =	vadd.s32 $0x570, v0;
	v2 =	vld.idx.msk [tilespmem:v1+s5+$0x0], $0xffff;
	_ =	sdelay $0x4  }
0xf7: {  	[tilespmem:v3+s13+$0x0] =	vst.idx.msk $0xffff, v2  }
0xf8: {  	v3 =	vadd.s32 $0x571, v0;
	v2 =	vld.idx.msk [tilespmem:v1+s10+$0x0], $0xffff;
	_ =	sdelay $0x4  }
0xf9: {  	[tilespmem:v3+s13+$0x0] =	vst.idx.msk $0xffff, v2  }
0xfa: {  	v2 =	vadd.s32 $0x572, v0;
	v1 =	vld.idx.msk [tilespmem:v1+s11+$0x0], $0xffff;
	_ =	sdelay $0x4  }
0xfb: {  	[tilespmem:v2+s13+$0x0] =	vst.idx.msk $0xffff, v1  }
0xfc: {  	v1 =	vld [tilespmem:$0xC1E0];
	_ =	sdelay $0x7  }
0xfd: {  	v3 =	vadd.s32 $0x5A0, v0;
	v2 =	vld.idx.msk [tilespmem:v1+s5+$0x0], $0xffff;
	_ =	sdelay $0x4  }
0xfe: {  	[tilespmem:v3+s13+$0x0] =	vst.idx.msk $0xffff, v2  }
0xff: {  	v3 =	vadd.s32 $0x5A1, v0;
	v2 =	vld.idx.msk [tilespmem:v1+s10+$0x0], $0xffff;
	_ =	sdelay $0x4  }
0x100: {  	[tilespmem:v3+s13+$0x0] =	vst.idx.msk $0xffff, v2  }
0x101: {  	v2 =	vadd.s32 $0x5A2, v0;
	v1 =	vld.idx.msk [tilespmem:v1+s11+$0x0], $0xffff;
	_ =	sdelay $0x4  }
0x102: {  	[tilespmem:v2+s13+$0x0] =	vst.idx.msk $0xffff, v1  }
0x103: {  	v1 =	vld [tilespmem:$0xC1F0];
	_ =	sdelay $0x7  }
0x104: {  	v3 =	vadd.s32 $0x5D0, v0;
	v2 =	vld.idx.msk [tilespmem:v1+s5+$0x0], $0xffff;
	_ =	sdelay $0x4  }
0x105: {  	[tilespmem:v3+s13+$0x0] =	vst.idx.msk $0xffff, v2  }
0x106: {  	v3 =	vadd.s32 $0x5D1, v0;
	v2 =	vld.idx.msk [tilespmem:v1+s10+$0x0], $0xffff;
	_ =	sdelay $0x4  }
0x107: {  	[tilespmem:v3+s13+$0x0] =	vst.idx.msk $0xffff, v2  }
0x108: {  	v2 =	vadd.s32 $0x5D2, v0;
	v1 =	vld.idx.msk [tilespmem:v1+s11+$0x0], $0xffff;
	_ =	sdelay $0x4  }
0x109: {  	[tilespmem:v2+s13+$0x0] =	vst.idx.msk $0xffff, v1  }
0x10a: {  	v1 =	vld [tilespmem:$0xC200];
	_ =	sdelay $0x7  }
0x10b: {  	v3 =	vor.u32 $0x600, v0;
	v2 =	vld.idx.msk [tilespmem:v1+s5+$0x0], $0xffff;
	_ =	sdelay $0x4  }
0x10c: {  	[tilespmem:v3+s13+$0x0] =	vst.idx.msk $0xffff, v2  }
0x10d: {  	v3 =	vadd.s32 $0x601, v0;
	v2 =	vld.idx.msk [tilespmem:v1+s10+$0x0], $0xffff;
	_ =	sdelay $0x4  }
0x10e: {  	[tilespmem:v3+s13+$0x0] =	vst.idx.msk $0xffff, v2  }
0x10f: {  	v2 =	vadd.s32 $0x602, v0;
	v1 =	vld.idx.msk [tilespmem:v1+s11+$0x0], $0xffff;
	_ =	sdelay $0x4  }
0x110: {  	[tilespmem:v2+s13+$0x0] =	vst.idx.msk $0xffff, v1  }
0x111: {  	v1 =	vld [tilespmem:$0xC210];
	_ =	sdelay $0x7  }
0x112: {  	v3 =	vadd.s32 $0x630, v0;
	v2 =	vld.idx.msk [tilespmem:v1+s5+$0x0], $0xffff;
	_ =	sdelay $0x4  }
0x113: {  	[tilespmem:v3+s13+$0x0] =	vst.idx.msk $0xffff, v2  }
0x114: {  	v3 =	vadd.s32 $0x631, v0;
	v2 =	vld.idx.msk [tilespmem:v1+s10+$0x0], $0xffff;
	_ =	sdelay $0x4  }
0x115: {  	[tilespmem:v3+s13+$0x0] =	vst.idx.msk $0xffff, v2  }
0x116: {  	v2 =	vadd.s32 $0x632, v0;
	v1 =	vld.idx.msk [tilespmem:v1+s11+$0x0], $0xffff;
	_ =	sdelay $0x4  }
0x117: {  	[tilespmem:v2+s13+$0x0] =	vst.idx.msk $0xffff, v1  }
0x118: {  	v1 =	vld [tilespmem:$0xC220];
	_ =	sdelay $0x7  }
0x119: {  	v3 =	vadd.s32 $0x660, v0;
	v2 =	vld.idx.msk [tilespmem:v1+s5+$0x0], $0xffff;
	_ =	sdelay $0x4  }
0x11a: {  	[tilespmem:v3+s13+$0x0] =	vst.idx.msk $0xffff, v2  }
0x11b: {  	v3 =	vadd.s32 $0x661, v0;
	v2 =	vld.idx.msk [tilespmem:v1+s10+$0x0], $0xffff;
	_ =	sdelay $0x4  }
0x11c: {  	[tilespmem:v3+s13+$0x0] =	vst.idx.msk $0xffff, v2  }
0x11d: {  	v2 =	vadd.s32 $0x662, v0;
	v1 =	vld.idx.msk [tilespmem:v1+s11+$0x0], $0xffff;
	_ =	sdelay $0x4  }
0x11e: {  	[tilespmem:v2+s13+$0x0] =	vst.idx.msk $0xffff, v1  }
0x11f: {  	v1 =	vld [tilespmem:$0xC230];
	_ =	sdelay $0x7  }
0x120: {  	v3 =	vadd.s32 $0x690, v0;
	v2 =	vld.idx.msk [tilespmem:v1+s5+$0x0], $0xffff;
	_ =	sdelay $0x4  }
0x121: {  	[tilespmem:v3+s13+$0x0] =	vst.idx.msk $0xffff, v2  }
0x122: {  	v3 =	vadd.s32 $0x691, v0;
	v2 =	vld.idx.msk [tilespmem:v1+s10+$0x0], $0xffff;
	_ =	sdelay $0x4  }
0x123: {  	[tilespmem:v3+s13+$0x0] =	vst.idx.msk $0xffff, v2  }
0x124: {  	v2 =	vadd.s32 $0x692, v0;
	v1 =	vld.idx.msk [tilespmem:v1+s11+$0x0], $0xffff;
	_ =	sdelay $0x4  }
0x125: {  	[tilespmem:v2+s13+$0x0] =	vst.idx.msk $0xffff, v1  }
0x126: {  	v1 =	vld [tilespmem:$0xC240];
	_ =	sdelay $0x7  }
0x127: {  	v3 =	vor.u32 $0x6C0, v0;
	v2 =	vld.idx.msk [tilespmem:v1+s5+$0x0], $0xffff;
	_ =	sdelay $0x4  }
0x128: {  	[tilespmem:v3+s13+$0x0] =	vst.idx.msk $0xffff, v2  }
0x129: {  	v3 =	vadd.s32 $0x6C1, v0;
	v2 =	vld.idx.msk [tilespmem:v1+s10+$0x0], $0xffff;
	_ =	sdelay $0x4  }
0x12a: {  	[tilespmem:v3+s13+$0x0] =	vst.idx.msk $0xffff, v2  }
0x12b: {  	v2 =	vadd.s32 $0x6C2, v0;
	v1 =	vld.idx.msk [tilespmem:v1+s11+$0x0], $0xffff;
	_ =	sdelay $0x4  }
0x12c: {  	[tilespmem:v2+s13+$0x0] =	vst.idx.msk $0xffff, v1  }
0x12d: {  	v1 =	vld [tilespmem:$0xC250];
	_ =	sdelay $0x7  }
0x12e: {  	v3 =	vadd.s32 $0x6F0, v0;
	v2 =	vld.idx.msk [tilespmem:v1+s5+$0x0], $0xffff;
	_ =	sdelay $0x4  }
0x12f: {  	[tilespmem:v3+s13+$0x0] =	vst.idx.msk $0xffff, v2  }
0x130: {  	v3 =	vadd.s32 $0x6F1, v0;
	v2 =	vld.idx.msk [tilespmem:v1+s10+$0x0], $0xffff;
	_ =	sdelay $0x4  }
0x131: {  	[tilespmem:v3+s13+$0x0] =	vst.idx.msk $0xffff, v2  }
0x132: {  	v2 =	vadd.s32 $0x6F2, v0;
	v1 =	vld.idx.msk [tilespmem:v1+s11+$0x0], $0xffff;
	_ =	sdelay $0x4  }
0x133: {  	[tilespmem:v2+s13+$0x0] =	vst.idx.msk $0xffff, v1  }
0x134: {  	v1 =	vld [tilespmem:$0xC260];
	_ =	sdelay $0x7  }
0x135: {  	v3 =	vadd.s32 $0x720, v0;
	v2 =	vld.idx.msk [tilespmem:v1+s5+$0x0], $0xffff;
	_ =	sdelay $0x4  }
0x136: {  	[tilespmem:v3+s13+$0x0] =	vst.idx.msk $0xffff, v2  }
0x137: {  	v3 =	vadd.s32 $0x721, v0;
	v2 =	vld.idx.msk [tilespmem:v1+s10+$0x0], $0xffff;
	_ =	sdelay $0x4  }
0x138: {  	[tilespmem:v3+s13+$0x0] =	vst.idx.msk $0xffff, v2  }
0x139: {  	v2 =	vadd.s32 $0x722, v0;
	v1 =	vld.idx.msk [tilespmem:v1+s11+$0x0], $0xffff;
	_ =	sdelay $0x4  }
0x13a: {  	[tilespmem:v2+s13+$0x0] =	vst.idx.msk $0xffff, v1  }
0x13b: {  	v1 =	vld [tilespmem:$0xC270];
	_ =	sdelay $0x7  }
0x13c: {  	v3 =	vadd.s32 $0x750, v0;
	v2 =	vld.idx.msk [tilespmem:v1+s5+$0x0], $0xffff;
	_ =	sdelay $0x4  }
0x13d: {  	[tilespmem:v3+s13+$0x0] =	vst.idx.msk $0xffff, v2  }
0x13e: {  	v3 =	vadd.s32 $0x751, v0;
	v2 =	vld.idx.msk [tilespmem:v1+s10+$0x0], $0xffff;
	_ =	sdelay $0x4  }
0x13f: {  	[tilespmem:v3+s13+$0x0] =	vst.idx.msk $0xffff, v2  }
0x140: {  	v2 =	vadd.s32 $0x752, v0;
	v1 =	vld.idx.msk [tilespmem:v1+s11+$0x0], $0xffff;
	_ =	sdelay $0x4  }
0x141: {  	[tilespmem:v2+s13+$0x0] =	vst.idx.msk $0xffff, v1  }
0x142: {  	v1 =	vld [tilespmem:$0xC280];
	_ =	sdelay $0x7  }
0x143: {  	v3 =	vor.u32 $0x780, v0;
	v2 =	vld.idx.msk [tilespmem:v1+s5+$0x0], $0xffff;
	_ =	sdelay $0x4  }
0x144: {  	[tilespmem:v3+s13+$0x0] =	vst.idx.msk $0xffff, v2  }
0x145: {  	v3 =	vadd.s32 $0x781, v0;
	v2 =	vld.idx.msk [tilespmem:v1+s10+$0x0], $0xffff;
	_ =	sdelay $0x4  }
0x146: {  	[tilespmem:v3+s13+$0x0] =	vst.idx.msk $0xffff, v2  }
0x147: {  	v2 =	vadd.s32 $0x782, v0;
	v1 =	vld.idx.msk [tilespmem:v1+s11+$0x0], $0xffff;
	_ =	sdelay $0x4  }
0x148: {  	[tilespmem:v2+s13+$0x0] =	vst.idx.msk $0xffff, v1  }
0x149: {  	v1 =	vld [tilespmem:$0xC290];
	_ =	sdelay $0x7  }
0x14a: {  	v3 =	vadd.s32 $0x7B0, v0;
	v2 =	vld.idx.msk [tilespmem:v1+s5+$0x0], $0xffff;
	_ =	sdelay $0x4  }
0x14b: {  	[tilespmem:v3+s13+$0x0] =	vst.idx.msk $0xffff, v2  }
0x14c: {  	v3 =	vadd.s32 $0x7B1, v0;
	v2 =	vld.idx.msk [tilespmem:v1+s10+$0x0], $0xffff;
	_ =	sdelay $0x4  }
0x14d: {  	[tilespmem:v3+s13+$0x0] =	vst.idx.msk $0xffff, v2  }
0x14e: {  	v2 =	vadd.s32 $0x7B2, v0;
	v1 =	vld.idx.msk [tilespmem:v1+s11+$0x0], $0xffff;
	_ =	sdelay $0x4  }
0x14f: {  	[tilespmem:v2+s13+$0x0] =	vst.idx.msk $0xffff, v1  }
0x150: {  	v1 =	vld [tilespmem:$0xC2A0];
	_ =	sdelay $0x7  }
0x151: {  	v3 =	vadd.s32 $0x7E0, v0;
	v2 =	vld.idx.msk [tilespmem:v1+s5+$0x0], $0xffff;
	_ =	sdelay $0x4  }
0x152: {  	[tilespmem:v3+s13+$0x0] =	vst.idx.msk $0xffff, v2  }
0x153: {  	v3 =	vadd.s32 $0x7E1, v0;
	v2 =	vld.idx.msk [tilespmem:v1+s10+$0x0], $0xffff;
	_ =	sdelay $0x4  }
0x154: {  	[tilespmem:v3+s13+$0x0] =	vst.idx.msk $0xffff, v2  }
0x155: {  	v2 =	vadd.s32 $0x7E2, v0;
	v1 =	vld.idx.msk [tilespmem:v1+s11+$0x0], $0xffff;
	_ =	sdelay $0x4  }
0x156: {  	[tilespmem:v2+s13+$0x0] =	vst.idx.msk $0xffff, v1  }
0x157: {  	v1 =	vld [tilespmem:$0xC2B0];
	_ =	sdelay $0x7  }
0x158: {  	v3 =	vadd.s32 $0x810, v0;
	v2 =	vld.idx.msk [tilespmem:v1+s5+$0x0], $0xffff;
	_ =	sdelay $0x4  }
0x159: {  	[tilespmem:v3+s13+$0x0] =	vst.idx.msk $0xffff, v2  }
0x15a: {  	v3 =	vadd.s32 $0x811, v0;
	v2 =	vld.idx.msk [tilespmem:v1+s10+$0x0], $0xffff;
	_ =	sdelay $0x4  }
0x15b: {  	[tilespmem:v3+s13+$0x0] =	vst.idx.msk $0xffff, v2  }
0x15c: {  	v2 =	vadd.s32 $0x812, v0;
	v1 =	vld.idx.msk [tilespmem:v1+s11+$0x0], $0xffff;
	_ =	sdelay $0x4  }
0x15d: {  	[tilespmem:v2+s13+$0x0] =	vst.idx.msk $0xffff, v1  }
0x15e: {  	v1 =	vld [tilespmem:$0xC2C0];
	_ =	sdelay $0x7  }
0x15f: {  	v3 =	vor.u32 $0x840, v0;
	v2 =	vld.idx.msk [tilespmem:v1+s5+$0x0], $0xffff;
	_ =	sdelay $0x4  }
0x160: {  	[tilespmem:v3+s13+$0x0] =	vst.idx.msk $0xffff, v2  }
0x161: {  	v3 =	vadd.s32 $0x841, v0;
	v2 =	vld.idx.msk [tilespmem:v1+s10+$0x0], $0xffff;
	_ =	sdelay $0x4  }
0x162: {  	[tilespmem:v3+s13+$0x0] =	vst.idx.msk $0xffff, v2  }
0x163: {  	v2 =	vadd.s32 $0x842, v0;
	v1 =	vld.idx.msk [tilespmem:v1+s11+$0x0], $0xffff;
	_ =	sdelay $0x4  }
0x164: {  	[tilespmem:v2+s13+$0x0] =	vst.idx.msk $0xffff, v1  }
0x165: {  	v1 =	vld [tilespmem:$0xC2D0];
	_ =	sdelay $0x7  }
0x166: {  	v3 =	vadd.s32 $0x870, v0;
	v2 =	vld.idx.msk [tilespmem:v1+s5+$0x0], $0xffff;
	_ =	sdelay $0x4  }
0x167: {  	[tilespmem:v3+s13+$0x0] =	vst.idx.msk $0xffff, v2  }
0x168: {  	v3 =	vadd.s32 $0x871, v0;
	v2 =	vld.idx.msk [tilespmem:v1+s10+$0x0], $0xffff;
	_ =	sdelay $0x4  }
0x169: {  	[tilespmem:v3+s13+$0x0] =	vst.idx.msk $0xffff, v2  }
0x16a: {  	v2 =	vadd.s32 $0x872, v0;
	v1 =	vld.idx.msk [tilespmem:v1+s11+$0x0], $0xffff;
	_ =	sdelay $0x4  }
0x16b: {  	[tilespmem:v2+s13+$0x0] =	vst.idx.msk $0xffff, v1  }
0x16c: {  	v1 =	vld [tilespmem:$0xC2E0];
	_ =	sdelay $0x7  }
0x16d: {  	v3 =	vadd.s32 $0x8A0, v0;
	v2 =	vld.idx.msk [tilespmem:v1+s5+$0x0], $0xffff;
	_ =	sdelay $0x4  }
0x16e: {  	[tilespmem:v3+s13+$0x0] =	vst.idx.msk $0xffff, v2  }
0x16f: {  	v3 =	vadd.s32 $0x8A1, v0;
	v2 =	vld.idx.msk [tilespmem:v1+s10+$0x0], $0xffff;
	_ =	sdelay $0x4  }
0x170: {  	[tilespmem:v3+s13+$0x0] =	vst.idx.msk $0xffff, v2  }
0x171: {  	v2 =	vadd.s32 $0x8A2, v0;
	v1 =	vld.idx.msk [tilespmem:v1+s11+$0x0], $0xffff;
	_ =	sdelay $0x4  }
0x172: {  	[tilespmem:v2+s13+$0x0] =	vst.idx.msk $0xffff, v1  }
0x173: {  	v1 =	vld [tilespmem:$0xC2F0];
	_ =	sdelay $0x7  }
0x174: {  	v3 =	vadd.s32 $0x8D0, v0;
	v2 =	vld.idx.msk [tilespmem:v1+s5+$0x0], $0xffff;
	_ =	sdelay $0x4  }
0x175: {  	[tilespmem:v3+s13+$0x0] =	vst.idx.msk $0xffff, v2  }
0x176: {  	v3 =	vadd.s32 $0x8D1, v0;
	v2 =	vld.idx.msk [tilespmem:v1+s10+$0x0], $0xffff;
	_ =	sdelay $0x4  }
0x177: {  	[tilespmem:v3+s13+$0x0] =	vst.idx.msk $0xffff, v2  }
0x178: {  	v2 =	vadd.s32 $0x8D2, v0;
	v1 =	vld.idx.msk [tilespmem:v1+s11+$0x0], $0xffff;
	_ =	sdelay $0x4  }
0x179: {  	[tilespmem:v2+s13+$0x0] =	vst.idx.msk $0xffff, v1  }
0x17a: {  	v1 =	vld [tilespmem:$0xC300];
	_ =	sdelay $0x7  }
0x17b: {  	v3 =	vor.u32 $0x900, v0;
	v2 =	vld.idx.msk [tilespmem:v1+s5+$0x0], $0xffff;
	_ =	sdelay $0x4  }
0x17c: {  	[tilespmem:v3+s13+$0x0] =	vst.idx.msk $0xffff, v2  }
0x17d: {  	v3 =	vadd.s32 $0x901, v0;
	v2 =	vld.idx.msk [tilespmem:v1+s10+$0x0], $0xffff;
	_ =	sdelay $0x4  }
0x17e: {  	[tilespmem:v3+s13+$0x0] =	vst.idx.msk $0xffff, v2  }
0x17f: {  	v2 =	vadd.s32 $0x902, v0;
	v1 =	vld.idx.msk [tilespmem:v1+s11+$0x0], $0xffff;
	_ =	sdelay $0x4  }
0x180: {  	[tilespmem:v2+s13+$0x0] =	vst.idx.msk $0xffff, v1  }
0x181: {  	v1 =	vld [tilespmem:$0xC310];
	_ =	sdelay $0x7  }
0x182: {  	v3 =	vadd.s32 $0x930, v0;
	v2 =	vld.idx.msk [tilespmem:v1+s5+$0x0], $0xffff;
	_ =	sdelay $0x4  }
0x183: {  	[tilespmem:v3+s13+$0x0] =	vst.idx.msk $0xffff, v2  }
0x184: {  	v3 =	vadd.s32 $0x931, v0;
	v2 =	vld.idx.msk [tilespmem:v1+s10+$0x0], $0xffff;
	_ =	sdelay $0x4  }
0x185: {  	[tilespmem:v3+s13+$0x0] =	vst.idx.msk $0xffff, v2  }
0x186: {  	v2 =	vadd.s32 $0x932, v0;
	v1 =	vld.idx.msk [tilespmem:v1+s11+$0x0], $0xffff;
	_ =	sdelay $0x4  }
0x187: {  	[tilespmem:v2+s13+$0x0] =	vst.idx.msk $0xffff, v1  }
0x188: {  	v1 =	vld [tilespmem:$0xC320];
	_ =	sdelay $0x7  }
0x189: {  	v3 =	vadd.s32 $0x960, v0;
	v2 =	vld.idx.msk [tilespmem:v1+s5+$0x0], $0xffff;
	_ =	sdelay $0x4  }
0x18a: {  	[tilespmem:v3+s13+$0x0] =	vst.idx.msk $0xffff, v2  }
0x18b: {  	v3 =	vadd.s32 $0x961, v0;
	v2 =	vld.idx.msk [tilespmem:v1+s10+$0x0], $0xffff;
	_ =	sdelay $0x4  }
0x18c: {  	[tilespmem:v3+s13+$0x0] =	vst.idx.msk $0xffff, v2  }
0x18d: {  	v2 =	vadd.s32 $0x962, v0;
	v1 =	vld.idx.msk [tilespmem:v1+s11+$0x0], $0xffff;
	_ =	sdelay $0x4  }
0x18e: {  	[tilespmem:v2+s13+$0x0] =	vst.idx.msk $0xffff, v1  }
0x18f: {  	v1 =	vld [tilespmem:$0xC330];
	_ =	sdelay $0x7  }
0x190: {  	v3 =	vadd.s32 $0x990, v0;
	v2 =	vld.idx.msk [tilespmem:v1+s5+$0x0], $0xffff;
	_ =	sdelay $0x4  }
0x191: {  	[tilespmem:v3+s13+$0x0] =	vst.idx.msk $0xffff, v2  }
0x192: {  	v3 =	vadd.s32 $0x991, v0;
	v2 =	vld.idx.msk [tilespmem:v1+s10+$0x0], $0xffff;
	_ =	sdelay $0x4  }
0x193: {  	[tilespmem:v3+s13+$0x0] =	vst.idx.msk $0xffff, v2  }
0x194: {  	v2 =	vadd.s32 $0x992, v0;
	v1 =	vld.idx.msk [tilespmem:v1+s11+$0x0], $0xffff;
	_ =	sdelay $0x4  }
0x195: {  	[tilespmem:v2+s13+$0x0] =	vst.idx.msk $0xffff, v1  }
0x196: {  	v1 =	vld [tilespmem:$0xC340];
	_ =	sdelay $0x7  }
0x197: {  	v3 =	vor.u32 $0x9C0, v0;
	v2 =	vld.idx.msk [tilespmem:v1+s5+$0x0], $0xffff;
	_ =	sdelay $0x4  }
0x198: {  	[tilespmem:v3+s13+$0x0] =	vst.idx.msk $0xffff, v2  }
0x199: {  	v3 =	vadd.s32 $0x9C1, v0;
	v2 =	vld.idx.msk [tilespmem:v1+s10+$0x0], $0xffff;
	_ =	sdelay $0x4  }
0x19a: {  	[tilespmem:v3+s13+$0x0] =	vst.idx.msk $0xffff, v2  }
0x19b: {  	v2 =	vadd.s32 $0x9C2, v0;
	v1 =	vld.idx.msk [tilespmem:v1+s11+$0x0], $0xffff;
	_ =	sdelay $0x4  }
0x19c: {  	[tilespmem:v2+s13+$0x0] =	vst.idx.msk $0xffff, v1  }
0x19d: {  	v1 =	vld [tilespmem:$0xC350];
	_ =	sdelay $0x7  }
0x19e: {  	v3 =	vadd.s32 $0x9F0, v0;
	v2 =	vld.idx.msk [tilespmem:v1+s5+$0x0], $0xffff;
	_ =	sdelay $0x4  }
0x19f: {  	[tilespmem:v3+s13+$0x0] =	vst.idx.msk $0xffff, v2  }
0x1a0: {  	v3 =	vadd.s32 $0x9F1, v0;
	v2 =	vld.idx.msk [tilespmem:v1+s10+$0x0], $0xffff;
	_ =	sdelay $0x4  }
0x1a1: {  	[tilespmem:v3+s13+$0x0] =	vst.idx.msk $0xffff, v2  }
0x1a2: {  	v2 =	vadd.s32 $0x9F2, v0;
	v1 =	vld.idx.msk [tilespmem:v1+s11+$0x0], $0xffff;
	_ =	sdelay $0x4  }
0x1a3: {  	[tilespmem:v2+s13+$0x0] =	vst.idx.msk $0xffff, v1  }
0x1a4: {  	v1 =	vld [tilespmem:$0xC360];
	_ =	sdelay $0x7  }
0x1a5: {  	v3 =	vadd.s32 $0xA20, v0;
	v2 =	vld.idx.msk [tilespmem:v1+s5+$0x0], $0xffff;
	_ =	sdelay $0x4  }
0x1a6: {  	[tilespmem:v3+s13+$0x0] =	vst.idx.msk $0xffff, v2  }
0x1a7: {  	v3 =	vadd.s32 $0xA21, v0;
	v2 =	vld.idx.msk [tilespmem:v1+s10+$0x0], $0xffff;
	_ =	sdelay $0x4  }
0x1a8: {  	[tilespmem:v3+s13+$0x0] =	vst.idx.msk $0xffff, v2  }
0x1a9: {  	v2 =	vadd.s32 $0xA22, v0;
	v1 =	vld.idx.msk [tilespmem:v1+s11+$0x0], $0xffff;
	_ =	sdelay $0x4  }
0x1aa: {  	[tilespmem:v2+s13+$0x0] =	vst.idx.msk $0xffff, v1  }
0x1ab: {  	v1 =	vld [tilespmem:$0xC370];
	_ =	sdelay $0x7  }
0x1ac: {  	v3 =	vadd.s32 $0xA50, v0;
	v2 =	vld.idx.msk [tilespmem:v1+s5+$0x0], $0xffff;
	_ =	sdelay $0x4  }
0x1ad: {  	[tilespmem:v3+s13+$0x0] =	vst.idx.msk $0xffff, v2  }
0x1ae: {  	v3 =	vadd.s32 $0xA51, v0;
	v2 =	vld.idx.msk [tilespmem:v1+s10+$0x0], $0xffff;
	_ =	sdelay $0x4  }
0x1af: {  	[tilespmem:v3+s13+$0x0] =	vst.idx.msk $0xffff, v2  }
0x1b0: {  	v2 =	vadd.s32 $0xA52, v0;
	v1 =	vld.idx.msk [tilespmem:v1+s11+$0x0], $0xffff;
	_ =	sdelay $0x4  }
0x1b1: {  	[tilespmem:v2+s13+$0x0] =	vst.idx.msk $0xffff, v1  }
0x1b2: {  	v1 =	vld [tilespmem:$0xC380];
	_ =	sdelay $0x7  }
0x1b3: {  	v3 =	vor.u32 $0xA80, v0;
	v2 =	vld.idx.msk [tilespmem:v1+s5+$0x0], $0xffff;
	_ =	sdelay $0x4  }
0x1b4: {  	[tilespmem:v3+s13+$0x0] =	vst.idx.msk $0xffff, v2  }
0x1b5: {  	v3 =	vadd.s32 $0xA81, v0;
	v2 =	vld.idx.msk [tilespmem:v1+s10+$0x0], $0xffff;
	_ =	sdelay $0x4  }
0x1b6: {  	[tilespmem:v3+s13+$0x0] =	vst.idx.msk $0xffff, v2  }
0x1b7: {  	v2 =	vadd.s32 $0xA82, v0;
	v1 =	vld.idx.msk [tilespmem:v1+s11+$0x0], $0xffff;
	_ =	sdelay $0x4  }
0x1b8: {  	[tilespmem:v2+s13+$0x0] =	vst.idx.msk $0xffff, v1  }
0x1b9: {  	v1 =	vld [tilespmem:$0xC390];
	_ =	sdelay $0x7  }
0x1ba: {  	v3 =	vadd.s32 $0xAB0, v0;
	v2 =	vld.idx.msk [tilespmem:v1+s5+$0x0], $0xffff;
	_ =	sdelay $0x4  }
0x1bb: {  	[tilespmem:v3+s13+$0x0] =	vst.idx.msk $0xffff, v2  }
0x1bc: {  	v3 =	vadd.s32 $0xAB1, v0;
	v2 =	vld.idx.msk [tilespmem:v1+s10+$0x0], $0xffff;
	_ =	sdelay $0x4  }
0x1bd: {  	[tilespmem:v3+s13+$0x0] =	vst.idx.msk $0xffff, v2  }
0x1be: {  	v2 =	vadd.s32 $0xAB2, v0;
	v1 =	vld.idx.msk [tilespmem:v1+s11+$0x0], $0xffff;
	_ =	sdelay $0x4  }
0x1bf: {  	[tilespmem:v2+s13+$0x0] =	vst.idx.msk $0xffff, v1  }
0x1c0: {  	v1 =	vld [tilespmem:$0xC3A0];
	_ =	sdelay $0x7  }
0x1c1: {  	v3 =	vadd.s32 $0xAE0, v0;
	v2 =	vld.idx.msk [tilespmem:v1+s5+$0x0], $0xffff;
	_ =	sdelay $0x4  }
0x1c2: {  	[tilespmem:v3+s13+$0x0] =	vst.idx.msk $0xffff, v2  }
0x1c3: {  	v3 =	vadd.s32 $0xAE1, v0;
	v2 =	vld.idx.msk [tilespmem:v1+s10+$0x0], $0xffff;
	_ =	sdelay $0x4  }
0x1c4: {  	[tilespmem:v3+s13+$0x0] =	vst.idx.msk $0xffff, v2  }
0x1c5: {  	v2 =	vadd.s32 $0xAE2, v0;
	v1 =	vld.idx.msk [tilespmem:v1+s11+$0x0], $0xffff;
	_ =	sdelay $0x4  }
0x1c6: {  	[tilespmem:v2+s13+$0x0] =	vst.idx.msk $0xffff, v1  }
0x1c7: {  	v1 =	vld [tilespmem:$0xC3B0];
	_ =	sdelay $0x7  }
0x1c8: {  	v3 =	vadd.s32 $0xB10, v0;
	v2 =	vld.idx.msk [tilespmem:v1+s5+$0x0], $0xffff;
	_ =	sdelay $0x4  }
0x1c9: {  	[tilespmem:v3+s13+$0x0] =	vst.idx.msk $0xffff, v2  }
0x1ca: {  	v3 =	vadd.s32 $0xB11, v0;
	v2 =	vld.idx.msk [tilespmem:v1+s10+$0x0], $0xffff;
	_ =	sdelay $0x4  }
0x1cb: {  	[tilespmem:v3+s13+$0x0] =	vst.idx.msk $0xffff, v2  }
0x1cc: {  	v2 =	vadd.s32 $0xB12, v0;
	v1 =	vld.idx.msk [tilespmem:v1+s11+$0x0], $0xffff;
	_ =	sdelay $0x4  }
0x1cd: {  	[tilespmem:v2+s13+$0x0] =	vst.idx.msk $0xffff, v1  }
0x1ce: {  	v1 =	vld [tilespmem:$0xC3C0];
	_ =	sdelay $0x7  }
0x1cf: {  	v3 =	vor.u32 $0xB40, v0;
	v2 =	vld.idx.msk [tilespmem:v1+s5+$0x0], $0xffff;
	_ =	sdelay $0x4  }
0x1d0: {  	[tilespmem:v3+s13+$0x0] =	vst.idx.msk $0xffff, v2  }
0x1d1: {  	v3 =	vadd.s32 $0xB41, v0;
	v2 =	vld.idx.msk [tilespmem:v1+s10+$0x0], $0xffff;
	_ =	sdelay $0x4  }
0x1d2: {  	[tilespmem:v3+s13+$0x0] =	vst.idx.msk $0xffff, v2  }
0x1d3: {  	v2 =	vadd.s32 $0xB42, v0;
	v1 =	vld.idx.msk [tilespmem:v1+s11+$0x0], $0xffff;
	_ =	sdelay $0x4  }
0x1d4: {  	[tilespmem:v2+s13+$0x0] =	vst.idx.msk $0xffff, v1  }
0x1d5: {  	v1 =	vld [tilespmem:$0xC3D0];
	_ =	sdelay $0x7  }
0x1d6: {  	v3 =	vadd.s32 $0xB70, v0;
	v2 =	vld.idx.msk [tilespmem:v1+s5+$0x0], $0xffff;
	_ =	sdelay $0x4  }
0x1d7: {  	[tilespmem:v3+s13+$0x0] =	vst.idx.msk $0xffff, v2  }
0x1d8: {  	v3 =	vadd.s32 $0xB71, v0;
	v2 =	vld.idx.msk [tilespmem:v1+s10+$0x0], $0xffff;
	_ =	sdelay $0x4  }
0x1d9: {  	[tilespmem:v3+s13+$0x0] =	vst.idx.msk $0xffff, v2  }
0x1da: {  	v2 =	vadd.s32 $0xB72, v0;
	v1 =	vld.idx.msk [tilespmem:v1+s11+$0x0], $0xffff;
	_ =	sdelay $0x4  }
0x1db: {  	[tilespmem:v2+s13+$0x0] =	vst.idx.msk $0xffff, v1  }
0x1dc: {  	v1 =	vld [tilespmem:$0xC3E0];
	_ =	sdelay $0x7  }
0x1dd: {  	v3 =	vadd.s32 $0xBA0, v0;
	v2 =	vld.idx.msk [tilespmem:v1+s5+$0x0], $0xffff;
	_ =	sdelay $0x4  }
0x1de: {  	[tilespmem:v3+s13+$0x0] =	vst.idx.msk $0xffff, v2  }
0x1df: {  	v3 =	vadd.s32 $0xBA1, v0;
	v2 =	vld.idx.msk [tilespmem:v1+s10+$0x0], $0xffff;
	_ =	sdelay $0x4  }
0x1e0: {  	[tilespmem:v3+s13+$0x0] =	vst.idx.msk $0xffff, v2  }
0x1e1: {  	v2 =	vadd.s32 $0xBA2, v0;
	v1 =	vld.idx.msk [tilespmem:v1+s11+$0x0], $0xffff;
	_ =	sdelay $0x4  }
0x1e2: {  	[tilespmem:v2+s13+$0x0] =	vst.idx.msk $0xffff, v1  }
0x1e3: {  	v1 =	vld [tilespmem:$0xC3F0];
	_ =	sdelay $0x7  }
0x1e4: {  	v3 =	vadd.s32 $0xBD0, v0;
	v2 =	vld.idx.msk [tilespmem:v1+s5+$0x0], $0xffff;
	_ =	sdelay $0x4  }
0x1e5: {  	[tilespmem:v3+s13+$0x0] =	vst.idx.msk $0xffff, v2  }
0x1e6: {  	v3 =	vadd.s32 $0xBD1, v0;
	v2 =	vld.idx.msk [tilespmem:v1+s10+$0x0], $0xffff;
	_ =	sdelay $0x4  }
0x1e7: {  	[tilespmem:v3+s13+$0x0] =	vst.idx.msk $0xffff, v2  }
0x1e8: {  	v2 =	vadd.s32 $0xBD2, v0;
	v1 =	vld.idx.msk [tilespmem:v1+s11+$0x0], $0xffff;
	_ =	sdelay $0x3  }
0x1e9: {  	p0 =	sne.s32 s8, $0x1  }
.Ltmp0:
0x1ea: {  	[tilespmem:v2+s13+$0x0] =	vst.idx.msk $0xffff, v1;
	(pc) =	sbr.rel @p0 .LBB2_1-.Ltmp0, $4  }
0x1eb: {  	[hbm4b:s7+s5] =	stream.linear.scatter [tilespmem:s13], [sflag:$0x1], $0xC00, $0x38;
	[tilespmem:$0xD000] =	vst v63  }
0x1ec: {  	_ =	swait.ge [sflag:s9], $0xC00  }
0x1ed: {  	[sflag:s9] =	ssyncset.done $0x0  }
0x1ee: {  	s8 =	sadd.s32 $0xFFFFFFFF, s8;
	[sflag:s9] =	ssyncadd.s32 $0xFFFFF400  }
0x1ef: {  	_ =	sfence.sel $0x180000  }
0x1f0: {  	[bflag:$0x0] =	sbarrier.arrive $0xFFFF  }
0x1f1: {  	p0 =	sne.s32 s3, $0x0;
	_ =	strace $0x90000047  }
0x1f2: {  	s0 =	sadd.s32 @!p0 $0x100000, s4;
	[bflag:$0x2] =	sbarrier.arrive $0xFFFF  }
0x1f3: {  	[sflag:s0] =	ssyncadd.tile.s32 @!p0 $0x1;
	_ =	shalt  }
.Lfunc_end2:
_tile_overlayer_lowered:
.L_overlay_start_2:
0x1f4: {  	(tag) =	ssettag $0x2  }
0x1f5: {  	s0 =	rddreg [dreg:$0x0];
	s2 =	stileid.u32  }
0x1f6: {  	s1 =	rddreg [dreg:$0x1];
	p0 =	sne.s32 s2, $0x0  }
0x1f7: {  	s3 =	rddreg [dreg:$0x2];
	[bflag:$0x3] =	sbarrier.arrive $0xFFFF;
	s2 =	simm.s32 @!p0 $0x1C01  }
0x1f8: {  	[timem:s3], [sflag:s2] =	dma.local @!p0 [hbm:s0], s1  }
0x1f9: {  	s0 =	simm.s32 @!p0 $0x1  }
0x1fa: {  	_ =	swait.ge @!p0 [sflag:s0], s1  }
0x1fb: {  	s1 =	ssub.s32 @!p0 $0x0, s1;
	[sflag:s0] =	ssyncset.done @!p0 $0x0  }
0x1fc: {  	[sflag:s0] =	ssyncadd.s32 @!p0 s1  }
0x1fd: {  	[bflag:$0x3] =	sbarrier.arrive $0xFFFF  }
0x1fe: {  	_ =	shalt  }

</sc_bundles>
